<compile_context>
chip_gen: v7x
topology: tpu7x:2x2x1
jax: 0.10.2.dev20260603
libtpu: 0.0.44.dev20260713+nightly
codegen_flags: <defaults>
</compile_context>

<pallas_src>
import functools

import jax
import jax.numpy as jnp
from jax import lax
from jax.experimental import pallas as pl
from jax.experimental.pallas import tpu as pltpu
from jax.experimental.pallas import tpu_sc as plsc

N = 10000
C = 128
H = 512
O = 40
E = 320000

NC = 2
NS = 16
NW = NC * NS
CH = 128
ERW = 80
ER = ERW * NW
EPAD = ER * CH - E
NP = 10240
RPS = NP // NS

assert (ERW - 8) % 4 == 0

_MESH = dict(core_axis_name="c", subcore_axis_name="s",
             num_cores=NC, num_subcores=NS)


def _worker_rows(c, s):
    return (c * NS + s) * ERW


def _sc_degree(dstf):
    mesh = plsc.VectorSubcoreMesh(**_MESH)

    @functools.partial(
        pl.kernel,
        out_type=jax.ShapeDtypeStruct((NC * NP, C), jnp.float32),
        mesh=mesh,
        scratch_types=(
            [pltpu.VMEM((CH,), jnp.int32) for _ in range(4)]
            + [pltpu.VMEM((CH, C), jnp.float32) for _ in range(2)]
            + [pltpu.SemaphoreType.DMA for _ in range(8)]
            + [pltpu.VMEM_SHARED((NP, C), jnp.float32)]
        ),
    )
    def k(dst_hbm, out_hbm, *refs):
        didx = refs[0:4]
        ones_v, zbuf = refs[4:6]
        disem = refs[6:10]
        ssem = refs[10:14]
        hist_sh = refs[14]
        c = lax.axis_index("c")
        s = lax.axis_index("s")
        base = _worker_rows(c, s) * CH
        one16 = jnp.ones((16,), jnp.float32)
        zero16 = jnp.zeros((16,), jnp.float32)

        @pl.loop(0, CH)
        def _(i):
            for kk in range(C // 16):
                ones_v[i, pl.ds(16 * kk, 16)] = one16
                zbuf[i, pl.ds(16 * kk, 16)] = zero16

        @pl.loop(0, RPS // CH)
        def _(t):
            pltpu.sync_copy(zbuf, hist_sh.at[pl.ds(s * RPS + t * CH, CH)])

        plsc.subcore_barrier()

        def di(b, j):
            pltpu.async_copy(dst_hbm.at[pl.ds(base + j * CH, CH)], didx[b],
                             disem[b])

        def wdi(b):
            pltpu.make_async_copy(dst_hbm.at[pl.ds(base, CH)], didx[b],
                                  disem[b]).wait()

        def ss(b, j):
            pltpu.async_copy(ones_v, hist_sh.at[didx[b]], ssem[b], add=True)

        def ws(b):
            pltpu.make_async_copy(ones_v, hist_sh.at[didx[0]],
                                  ssem[b]).wait()

        di(0, 0)
        di(1, 1)
        di(2, 2)
        wdi(0)
        ss(0, 0)
        di(3, 3)
        wdi(1)
        ss(1, 1)
        wdi(2)
        ss(2, 2)
        wdi(3)
        ss(3, 3)
        ws(0)
        di(0, 4)

        @pl.loop(0, (ERW - 8) // 4)
        def _(p):
            j0 = 4 + 4 * p
            for kk in range(4):
                j = j0 + kk
                wdi(kk)
                ss(kk, j)
                ws((kk + 1) % 4)
                di((kk + 1) % 4, j + 1)

        for j in range(ERW - 4, ERW):
            kk = j % 4
            wdi(kk)
            ss(kk, j)
            ws((kk + 1) % 4)
            if j + 1 < ERW:
                di((kk + 1) % 4, j + 1)
        ws(1)
        ws(2)
        ws(3)

        plsc.subcore_barrier()
        pltpu.sync_copy(hist_sh.at[pl.ds(s * RPS, RPS)],
                        out_hbm.at[pl.ds(c * NP + s * RPS, RPS)])

    return k(dstf)


def _sc_aggregate(xs, srcf, dstf):
    mesh = plsc.VectorSubcoreMesh(**_MESH)

    @functools.partial(
        pl.kernel,
        out_type=jax.ShapeDtypeStruct((NC * NP, C), jnp.float32),
        mesh=mesh,
        scratch_types=(
            [pltpu.VMEM((CH,), jnp.int32) for _ in range(8)]
            + [pltpu.VMEM((CH, C), jnp.float32) for _ in range(2)]
            + [pltpu.SemaphoreType.DMA for _ in range(12)]
            + [pltpu.VMEM_SHARED((NP, C), jnp.float32)]
        ),
    )
    def k(xs_hbm, src_hbm, dst_hbm, out_hbm, *refs):
        sidx = refs[0:4]
        didx = refs[4:8]
        rows = refs[8:10]
        sisem = refs[10:14]
        disem = refs[14:18]
        gsem = refs[18:20]
        ssem = refs[20:22]
        acc_sh = refs[22]
        c = lax.axis_index("c")
        s = lax.axis_index("s")
        base = _worker_rows(c, s) * CH
        zero16 = jnp.zeros((16,), jnp.float32)

        @pl.loop(0, CH)
        def _(i):
            for kk in range(C // 16):
                rows[0][i, pl.ds(16 * kk, 16)] = zero16

        @pl.loop(0, RPS // CH)
        def _(t):
            pltpu.sync_copy(rows[0], acc_sh.at[pl.ds(s * RPS + t * CH, CH)])

        plsc.subcore_barrier()

        def si(b, j):
            pltpu.async_copy(src_hbm.at[pl.ds(base + j * CH, CH)], sidx[b],
                             sisem[b])

        def wsi(b):
            pltpu.make_async_copy(src_hbm.at[pl.ds(base, CH)], sidx[b],
                                  sisem[b]).wait()

        def di(b, j):
            pltpu.async_copy(dst_hbm.at[pl.ds(base + j * CH, CH)], didx[b],
                             disem[b])

        def wdi(b):
            pltpu.make_async_copy(dst_hbm.at[pl.ds(base, CH)], didx[b],
                                  disem[b]).wait()

        def sg(r, b):
            pltpu.async_copy(xs_hbm.at[sidx[b]], rows[r], gsem[r])

        def wg(r):
            pltpu.make_async_copy(xs_hbm.at[sidx[0]], rows[r],
                                  gsem[r]).wait()

        def ss(r, b):
            pltpu.async_copy(rows[r], acc_sh.at[didx[b]], ssem[r], add=True)

        def ws(r):
            pltpu.make_async_copy(rows[0], acc_sh.at[didx[0]],
                                  ssem[r]).wait()

        def seg(j, kk, do_ws=True, do_di=True, do_si=True):
            if do_ws:
                ws(kk % 2)
            if do_di:
                di((kk + 2) % 4, j + 2)
            wsi(kk)
            sg(kk % 2, kk)
            wg((kk + 1) % 2)
            wdi((kk + 3) % 4)
            ss((kk + 1) % 2, (kk + 3) % 4)
            if do_si:
                si((kk + 3) % 4, j + 3)

        for b in range(4):
            si(b, b)
            di(b, b)
        wsi(0)
        sg(0, 0)
        wsi(1)
        sg(1, 1)
        wg(0)
        si(0, 4)
        wdi(0)
        ss(0, 0)
        seg(2, 2)
        seg(3, 3)

        @pl.loop(0, (ERW - 8) // 4)
        def _(p):
            j0 = 4 + 4 * p
            for kk in range(4):
                seg(j0 + kk, kk)

        seg(ERW - 4, 0, do_si=True)
        seg(ERW - 3, 1, do_si=False)
        seg(ERW - 2, 2, do_si=False, do_di=False)
        seg(ERW - 1, 3, do_si=False, do_di=False)
        wg(1)
        wdi(3)
        ss(1, 3)
        ws(0)
        ws(1)

        plsc.subcore_barrier()
        pltpu.sync_copy(acc_sh.at[pl.ds(s * RPS, RPS)],
                        out_hbm.at[pl.ds(c * NP + s * RPS, RPS)])

    return k(xs, srcf, dstf)


def _tc_scale(degpart, x):
    R = 2048

    def body(dp_ref, x_ref, xs_ref):
        deg = dp_ref[0, :, 0:1] + dp_ref[1, :, 0:1] + 1.0
        xs_ref[...] = x_ref[...] * lax.rsqrt(deg)

    dp3 = degpart.reshape(NC, NP, C)
    return pl.pallas_call(
        body,
        grid=(NP // R,),
        in_specs=[
            pl.BlockSpec((NC, R, C), lambda i: (0, i, 0)),
            pl.BlockSpec((R, C), lambda i: (i, 0)),
        ],
        out_specs=pl.BlockSpec((R, C), lambda i: (i, 0)),
        out_shape=jax.ShapeDtypeStruct((NP, C), jnp.float32),
    )(dp3, x)


def _tc_head(degpart, xs, accpart, w1, b1, w2p, b2p):
    R = 2000

    def body(dp_ref, xs_ref, acc_ref, w1_ref, b1_ref, w2_ref, b2_ref,
             h_ref, z_ref):
        deg = dp_ref[0, :, 0:1] + dp_ref[1, :, 0:1] + 1.0
        dinv = lax.rsqrt(deg)
        agg = (acc_ref[0] + acc_ref[1] + xs_ref[...]) * dinv
        h = jnp.dot(agg, w1_ref[...], preferred_element_type=jnp.float32)
        h = jnp.maximum(h + b1_ref[...], 0.0)
        h_ref[...] = h
        z_ref[...] = (jnp.dot(h, w2_ref[...],
                              preferred_element_type=jnp.float32)
                      + b2_ref[...])

    dp3 = degpart.reshape(NC, NP, C)
    acc3 = accpart.reshape(NC, NP, C)
    return pl.pallas_call(
        body,
        grid=(N // R,),
        in_specs=[
            pl.BlockSpec((NC, R, C), lambda i: (0, i, 0)),
            pl.BlockSpec((R, C), lambda i: (i, 0)),
            pl.BlockSpec((NC, R, C), lambda i: (0, i, 0)),
            pl.BlockSpec((C, H), lambda i: (0, 0)),
            pl.BlockSpec((1, H), lambda i: (0, 0)),
            pl.BlockSpec((H, 128), lambda i: (0, 0)),
            pl.BlockSpec((1, 128), lambda i: (0, 0)),
        ],
        out_specs=[
            pl.BlockSpec((R, H), lambda i: (i, 0)),
            pl.BlockSpec((R, 128), lambda i: (i, 0)),
        ],
        out_shape=[
            jax.ShapeDtypeStruct((N, H), jnp.float32),
            jax.ShapeDtypeStruct((N, 128), jnp.float32),
        ],
    )(dp3, xs, acc3, w1, b1.reshape(1, H), w2p, b2p)


def kernel(x, edge_index, W1, b1, W2, b2):
    fill = (jnp.arange(EPAD, dtype=jnp.int32) % (NP - N)) + N
    srcf = jnp.concatenate([edge_index[0].astype(jnp.int32), fill])
    dstf = jnp.concatenate([edge_index[1].astype(jnp.int32), fill])

    degpart = _sc_degree(dstf)
    xs = _tc_scale(degpart, x)
    accpart = _sc_aggregate(xs, srcf, dstf)

    w2p = jnp.pad(W2, ((0, 0), (0, 128 - O)))
    b2p = jnp.pad(b2, (0, 128 - O)).reshape(1, 128)
    h, zp = _tc_head(degpart, xs, accpart, W1, b1, w2p, b2p)
    return (h, zp[:, :O])

# --- scband reference (transcript-rebuilt; emitter-appended) ---
"""Pipeline reference for scband-gcn-83803401879592 (READ-ONLY COPY).

The authoritative reference and input builder live on the scoring server;
editing this copy changes nothing except your own understanding.
"""

import jax, jax.numpy as jnp
import numpy as np

N_NODES = 10000
IN_CH = 128
HIDDEN = 512
NUM_CLASSES = 40
N_EDGES = 320000


def setup_inputs(seed: int = 0) -> dict:
    key = jax.random.key(seed)
    k1, k2, k3, k4, k5, k6 = jax.random.split(key, 6)
    x = jax.random.normal(k1, (N_NODES, IN_CH), dtype=jnp.float32)
    edge_index = jax.random.randint(k2, (2, N_EDGES), 0, N_NODES, dtype=jnp.int64)
    # GCNConv parameters (glorot-ish scale)
    W1 = jax.random.normal(k3, (IN_CH, HIDDEN), dtype=jnp.float32) * (1.0 / np.sqrt(IN_CH))
    b1 = jnp.zeros((HIDDEN,), dtype=jnp.float32)
    # Output Linear parameters
    W2 = jax.random.normal(k4, (HIDDEN, NUM_CLASSES), dtype=jnp.float32) * (1.0 / np.sqrt(HIDDEN))
    b2 = jax.random.normal(k5, (NUM_CLASSES,), dtype=jnp.float32) * 0.01
    return {"x": x, "edge_index": edge_index, "W1": W1, "b1": b1, "W2": W2, "b2": b2}


def _gcn_conv(x, edge_index, W, b):
    # Faithful GCNConv: add self-loops, symmetric normalization, linear transform, scatter-add aggregate.
    N = x.shape[0]
    src = edge_index[0]
    dst = edge_index[1]
    loop = jnp.arange(N, dtype=src.dtype)
    src = jnp.concatenate([src, loop])
    dst = jnp.concatenate([dst, loop])
    deg = jnp.zeros((N,), dtype=x.dtype).at[dst].add(1.0)
    deg_inv_sqrt = jnp.where(deg > 0, jax.lax.rsqrt(jnp.maximum(deg, 1e-12)), 0.0)
    norm = deg_inv_sqrt[src] * deg_inv_sqrt[dst]
    xw = x @ W  # transform first (PyG default)
    msg = jnp.take(xw, src, axis=0) * norm[:, None]  # gather
    out = jnp.zeros((N, W.shape[1]), dtype=x.dtype).at[dst].add(msg)  # scatter-add
    return out + b


def reference(x, edge_index, W1, b1, W2, b2):
    h = jax.nn.relu(_gcn_conv(x, edge_index, W1, b1))
    z = h @ W2 + b2
    return (h, z)

if __name__ == "__main__":
    import jax
    _d = setup_inputs()
    print(jax.jit(kernel)(*tuple(_d.values())))

</pallas_src>

<mosaic_0001>
#map = affine_map<(d0, d1) -> (0, 0)>
#map1 = affine_map<(d0, d1) -> (0)>
module attributes {stable_mosaic.version = 14 : i64} {
  func.func @k(%arg0: i32, %arg1: i32, %arg2: memref<10240x128xf32, #tpu.memory_space<hbm>>, %arg3: memref<327680xi32, #tpu.memory_space<hbm>>, %arg4: memref<327680xi32, #tpu.memory_space<hbm>>, %arg5: memref<20480x128xf32, #tpu.memory_space<hbm>>, %arg6: memref<128xi32, #tpu.memory_space<vmem>>, %arg7: memref<128xi32, #tpu.memory_space<vmem>>, %arg8: memref<128xi32, #tpu.memory_space<vmem>>, %arg9: memref<128xi32, #tpu.memory_space<vmem>>, %arg10: memref<128xi32, #tpu.memory_space<vmem>>, %arg11: memref<128xi32, #tpu.memory_space<vmem>>, %arg12: memref<128xi32, #tpu.memory_space<vmem>>, %arg13: memref<128xi32, #tpu.memory_space<vmem>>, %arg14: memref<128x128xf32, #tpu.memory_space<vmem>>, %arg15: memref<128x128xf32, #tpu.memory_space<vmem>>, %arg16: memref<!tpu.dma_semaphore, #tpu.memory_space<semaphore_mem>>, %arg17: memref<!tpu.dma_semaphore, #tpu.memory_space<semaphore_mem>>, %arg18: memref<!tpu.dma_semaphore, #tpu.memory_space<semaphore_mem>>, %arg19: memref<!tpu.dma_semaphore, #tpu.memory_space<semaphore_mem>>, %arg20: memref<!tpu.dma_semaphore, #tpu.memory_space<semaphore_mem>>, %arg21: memref<!tpu.dma_semaphore, #tpu.memory_space<semaphore_mem>>, %arg22: memref<!tpu.dma_semaphore, #tpu.memory_space<semaphore_mem>>, %arg23: memref<!tpu.dma_semaphore, #tpu.memory_space<semaphore_mem>>, %arg24: memref<!tpu.dma_semaphore, #tpu.memory_space<semaphore_mem>>, %arg25: memref<!tpu.dma_semaphore, #tpu.memory_space<semaphore_mem>>, %arg26: memref<!tpu.dma_semaphore, #tpu.memory_space<semaphore_mem>>, %arg27: memref<!tpu.dma_semaphore, #tpu.memory_space<semaphore_mem>>, %arg28: memref<10240x128xf32, #tpu.memory_space<vmem_shared>>) attributes {dimension_semantics = [#tpu.dimension_semantics<core_parallel>, #tpu.dimension_semantics<subcore_parallel>], iteration_bounds = array<i64: 2, 16>, scalar_prefetch = 0 : i64, scratch_operands = 23 : i64, tpu.core_type = #tpu.core_type<sc_vector_subcore>, window_params = [{transform_indices = #map}, {transform_indices = #map1}, {transform_indices = #map1}, {transform_indices = #map}]} {
    %mul3A = arith.constant 16 : i32
    %mul3A_0 = arith.muli %arg0, %mul3A : i32
    %add3A = arith.addi %mul3A_0, %arg1 : i32
    %mul3A_1 = arith.constant 80 : i32
    %mul3A_2 = arith.muli %add3A, %mul3A_1 : i32
    %mul3A_3 = arith.constant 128 : i32
    %mul3A_4 = arith.muli %mul3A_2, %mul3A_3 : i32
    %broadcast_in_dim3A = arith.constant 0.000000e+00 : f32
    %broadcast_in_dim3A_5 = vector.broadcast %broadcast_in_dim3A : f32 to vector<16xf32>
    %scan3A = arith.constant 0 : i32
    %scan3A_6 = arith.constant 128 : i32
    %scan3A_7 = arith.addi %scan3A, %scan3A_6 : i32
    %scan3A_8 = arith.constant 1 : i32
    scf.for %scan3A_218 = %scan3A to %scan3A_7 step %scan3A_8  : i32 {
      %mul3A_219 = arith.constant 1 : i32
      %mul3A_220 = arith.muli %scan3A_218, %mul3A_219 : i32
      %add3A_221 = arith.constant 0 : i32
      %add3A_222 = arith.addi %add3A_221, %mul3A_220 : i32
      %swap3A = arith.index_cast %add3A_222 : i32 to index
      %swap3A_223 = arith.constant 0 : index
      %swap3A_224 = tpu.vector_load %arg14[%swap3A, %swap3A_223] {strides = array<i32>} : memref<128x128xf32, #tpu.memory_space<vmem>>, vector<1x16xf32>,
      %swap3A_225 = vector.shape_cast %swap3A_224 : vector<1x16xf32> to vector<16xf32>
      %swap3A_226 = vector.shape_cast %broadcast_in_dim3A_5 : vector<16xf32> to vector<1x16xf32>
      tpu.vector_store %arg14[%swap3A, %swap3A_223], %swap3A_226 {strides = array<i32>} : memref<128x128xf32, #tpu.memory_space<vmem>>, vector<1x16xf32>,
      %swap3A_227 = arith.index_cast %add3A_222 : i32 to index
      %swap3A_228 = arith.constant 16 : index
      %swap3A_229 = tpu.vector_load %arg14[%swap3A_227, %swap3A_228] {strides = array<i32>} : memref<128x128xf32, #tpu.memory_space<vmem>>, vector<1x16xf32>,
      %swap3A_230 = vector.shape_cast %swap3A_229 : vector<1x16xf32> to vector<16xf32>
      %swap3A_231 = vector.shape_cast %broadcast_in_dim3A_5 : vector<16xf32> to vector<1x16xf32>
      tpu.vector_store %arg14[%swap3A_227, %swap3A_228], %swap3A_231 {strides = array<i32>} : memref<128x128xf32, #tpu.memory_space<vmem>>, vector<1x16xf32>,
      %swap3A_232 = arith.index_cast %add3A_222 : i32 to index
      %swap3A_233 = arith.constant 32 : index
      %swap3A_234 = tpu.vector_load %arg14[%swap3A_232, %swap3A_233] {strides = array<i32>} : memref<128x128xf32, #tpu.memory_space<vmem>>, vector<1x16xf32>,
      %swap3A_235 = vector.shape_cast %swap3A_234 : vector<1x16xf32> to vector<16xf32>
      %swap3A_236 = vector.shape_cast %broadcast_in_dim3A_5 : vector<16xf32> to vector<1x16xf32>
      tpu.vector_store %arg14[%swap3A_232, %swap3A_233], %swap3A_236 {strides = array<i32>} : memref<128x128xf32, #tpu.memory_space<vmem>>, vector<1x16xf32>,
      %swap3A_237 = arith.index_cast %add3A_222 : i32 to index
      %swap3A_238 = arith.constant 48 : index
      %swap3A_239 = tpu.vector_load %arg14[%swap3A_237, %swap3A_238] {strides = array<i32>} : memref<128x128xf32, #tpu.memory_space<vmem>>, vector<1x16xf32>,
      %swap3A_240 = vector.shape_cast %swap3A_239 : vector<1x16xf32> to vector<16xf32>
      %swap3A_241 = vector.shape_cast %broadcast_in_dim3A_5 : vector<16xf32> to vector<1x16xf32>
      tpu.vector_store %arg14[%swap3A_237, %swap3A_238], %swap3A_241 {strides = array<i32>} : memref<128x128xf32, #tpu.memory_space<vmem>>, vector<1x16xf32>,
      %swap3A_242 = arith.index_cast %add3A_222 : i32 to index
      %swap3A_243 = arith.constant 64 : index
      %swap3A_244 = tpu.vector_load %arg14[%swap3A_242, %swap3A_243] {strides = array<i32>} : memref<128x128xf32, #tpu.memory_space<vmem>>, vector<1x16xf32>,
      %swap3A_245 = vector.shape_cast %swap3A_244 : vector<1x16xf32> to vector<16xf32>
      %swap3A_246 = vector.shape_cast %broadcast_in_dim3A_5 : vector<16xf32> to vector<1x16xf32>
      tpu.vector_store %arg14[%swap3A_242, %swap3A_243], %swap3A_246 {strides = array<i32>} : memref<128x128xf32, #tpu.memory_space<vmem>>, vector<1x16xf32>,
      %swap3A_247 = arith.index_cast %add3A_222 : i32 to index
      %swap3A_248 = arith.constant 80 : index
      %swap3A_249 = tpu.vector_load %arg14[%swap3A_247, %swap3A_248] {strides = array<i32>} : memref<128x128xf32, #tpu.memory_space<vmem>>, vector<1x16xf32>,
      %swap3A_250 = vector.shape_cast %swap3A_249 : vector<1x16xf32> to vector<16xf32>
      %swap3A_251 = vector.shape_cast %broadcast_in_dim3A_5 : vector<16xf32> to vector<1x16xf32>
      tpu.vector_store %arg14[%swap3A_247, %swap3A_248], %swap3A_251 {strides = array<i32>} : memref<128x128xf32, #tpu.memory_space<vmem>>, vector<1x16xf32>,
      %swap3A_252 = arith.index_cast %add3A_222 : i32 to index
      %swap3A_253 = arith.constant 96 : index
      %swap3A_254 = tpu.vector_load %arg14[%swap3A_252, %swap3A_253] {strides = array<i32>} : memref<128x128xf32, #tpu.memory_space<vmem>>, vector<1x16xf32>,
      %swap3A_255 = vector.shape_cast %swap3A_254 : vector<1x16xf32> to vector<16xf32>
      %swap3A_256 = vector.shape_cast %broadcast_in_dim3A_5 : vector<16xf32> to vector<1x16xf32>
      tpu.vector_store %arg14[%swap3A_252, %swap3A_253], %swap3A_256 {strides = array<i32>} : memref<128x128xf32, #tpu.memory_space<vmem>>, vector<1x16xf32>,
      %swap3A_257 = arith.index_cast %add3A_222 : i32 to index
      %swap3A_258 = arith.constant 112 : index
      %swap3A_259 = tpu.vector_load %arg14[%swap3A_257, %swap3A_258] {strides = array<i32>} : memref<128x128xf32, #tpu.memory_space<vmem>>, vector<1x16xf32>,
      %swap3A_260 = vector.shape_cast %swap3A_259 : vector<1x16xf32> to vector<16xf32>
      %swap3A_261 = vector.shape_cast %broadcast_in_dim3A_5 : vector<16xf32> to vector<1x16xf32>
      tpu.vector_store %arg14[%swap3A_257, %swap3A_258], %swap3A_261 {strides = array<i32>} : memref<128x128xf32, #tpu.memory_space<vmem>>, vector<1x16xf32>,
    }
    %scan3A_9 = arith.constant 128 : i32
    %scan3A_10 = arith.constant 0 : i32
    %scan3A_11 = arith.constant 5 : i32
    %scan3A_12 = arith.addi %scan3A_10, %scan3A_11 : i32
    %scan3A_13 = arith.constant 1 : i32
    scf.for %scan3A_218 = %scan3A_10 to %scan3A_12 step %scan3A_13  : i32 {
      %mul3A_219 = arith.constant 1 : i32
      %mul3A_220 = arith.muli %scan3A_218, %mul3A_219 : i32
      %add3A_221 = arith.constant 0 : i32
      %add3A_222 = arith.addi %add3A_221, %mul3A_220 : i32
      %mul3A_223 = arith.constant 640 : i32
      %mul3A_224 = arith.muli %arg1, %mul3A_223 : i32
      %mul3A_225 = arith.constant 128 : i32
      %mul3A_226 = arith.muli %add3A_222, %mul3A_225 : i32
      %add3A_227 = arith.addi %mul3A_224, %mul3A_226 : i32
      "tpu.region"() ({
        %run_scoped3A = tpu.sem_alloc : memref<!tpu.dma_semaphore, #tpu.memory_space<semaphore_mem>>
        %dma_start3A_228 = arith.constant 0 : i32
        %dma_start3A_229 = tpu.memref_slice %arg28[%add3A_227, %dma_start3A_228] : memref<10240x128xf32, #tpu.memory_space<vmem_shared>> -> memref<128x128xf32, #tpu.memory_space<vmem_shared>>
        %dma_start3A_230 = arith.constant 0 : i32
        %dma_start3A_231 = tpu.memref_slice %arg28[%add3A_227, %dma_start3A_230] : memref<10240x128xf32, #tpu.memory_space<vmem_shared>> -> memref<128x128xf32, #tpu.memory_space<vmem_shared>>
        tpu.enqueue_dma source(%arg14 : memref<128x128xf32, #tpu.memory_space<vmem>>) target(%dma_start3A_231 : memref<128x128xf32, #tpu.memory_space<vmem_shared>>) target_semaphore(%run_scoped3A : memref<!tpu.dma_semaphore, #tpu.memory_space<semaphore_mem>>)
        %dma_wait3A_232 = arith.constant 0 : i32
        %dma_wait3A_233 = tpu.memref_slice %arg28[%add3A_227, %dma_wait3A_232] : memref<10240x128xf32, #tpu.memory_space<vmem_shared>> -> memref<128x128xf32, #tpu.memory_space<vmem_shared>>
        %dma_wait3A_234 = arith.constant 0 : i32
        %dma_wait3A_235 = tpu.memref_slice %arg28[%add3A_227, %dma_wait3A_234] : memref<10240x128xf32, #tpu.memory_space<vmem_shared>> -> memref<128x128xf32, #tpu.memory_space<vmem_shared>>
        tpu.wait_dma2 semaphore(%run_scoped3A : memref<!tpu.dma_semaphore, #tpu.memory_space<semaphore_mem>>) src(%arg14 : memref<128x128xf32, #tpu.memory_space<vmem>>) dst(%dma_wait3A_235 : memref<128x128xf32, #tpu.memory_space<vmem_shared>>)
        tpu.yield
      }) : () -> ()
    }
    %scan3A_14 = arith.constant 5 : i32
    %barrier3A = arith.constant 0 : index
    tpu.barrier barrier_id(%barrier3A)
    %add3A_15 = arith.constant 0 : i32
    %add3A_16 = arith.addi %mul3A_4, %add3A_15 : i32
    %dma_start3A = tpu.memref_slice %arg3[%add3A_16] : memref<327680xi32, #tpu.memory_space<hbm>> -> memref<128xi32, #tpu.memory_space<hbm>>
    %dma_start3A_17 = tpu.memref_slice %arg3[%add3A_16] : memref<327680xi32, #tpu.memory_space<hbm>> -> memref<128xi32, #tpu.memory_space<hbm>>
    tpu.enqueue_dma source(%dma_start3A_17 : memref<128xi32, #tpu.memory_space<hbm>>) target(%arg6 : memref<128xi32, #tpu.memory_space<vmem>>) target_semaphore(%arg16 : memref<!tpu.dma_semaphore, #tpu.memory_space<semaphore_mem>>)
    %add3A_18 = arith.constant 0 : i32
    %add3A_19 = arith.addi %mul3A_4, %add3A_18 : i32
    %dma_start3A_20 = tpu.memref_slice %arg4[%add3A_19] : memref<327680xi32, #tpu.memory_space<hbm>> -> memref<128xi32, #tpu.memory_space<hbm>>
    %dma_start3A_21 = tpu.memref_slice %arg4[%add3A_19] : memref<327680xi32, #tpu.memory_space<hbm>> -> memref<128xi32, #tpu.memory_space<hbm>>
    tpu.enqueue_dma source(%dma_start3A_21 : memref<128xi32, #tpu.memory_space<hbm>>) target(%arg10 : memref<128xi32, #tpu.memory_space<vmem>>) target_semaphore(%arg20 : memref<!tpu.dma_semaphore, #tpu.memory_space<semaphore_mem>>)
    %add3A_22 = arith.constant 128 : i32
    %add3A_23 = arith.addi %mul3A_4, %add3A_22 : i32
    %dma_start3A_24 = tpu.memref_slice %arg3[%add3A_23] : memref<327680xi32, #tpu.memory_space<hbm>> -> memref<128xi32, #tpu.memory_space<hbm>>
    %dma_start3A_25 = tpu.memref_slice %arg3[%add3A_23] : memref<327680xi32, #tpu.memory_space<hbm>> -> memref<128xi32, #tpu.memory_space<hbm>>
    tpu.enqueue_dma source(%dma_start3A_25 : memref<128xi32, #tpu.memory_space<hbm>>) target(%arg7 : memref<128xi32, #tpu.memory_space<vmem>>) target_semaphore(%arg17 : memref<!tpu.dma_semaphore, #tpu.memory_space<semaphore_mem>>)
    %add3A_26 = arith.constant 128 : i32
    %add3A_27 = arith.addi %mul3A_4, %add3A_26 : i32
    %dma_start3A_28 = tpu.memref_slice %arg4[%add3A_27] : memref<327680xi32, #tpu.memory_space<hbm>> -> memref<128xi32, #tpu.memory_space<hbm>>
    %dma_start3A_29 = tpu.memref_slice %arg4[%add3A_27] : memref<327680xi32, #tpu.memory_space<hbm>> -> memref<128xi32, #tpu.memory_space<hbm>>
    tpu.enqueue_dma source(%dma_start3A_29 : memref<128xi32, #tpu.memory_space<hbm>>) target(%arg11 : memref<128xi32, #tpu.memory_space<vmem>>) target_semaphore(%arg21 : memref<!tpu.dma_semaphore, #tpu.memory_space<semaphore_mem>>)
    %add3A_30 = arith.constant 256 : i32
    %add3A_31 = arith.addi %mul3A_4, %add3A_30 : i32
    %dma_start3A_32 = tpu.memref_slice %arg3[%add3A_31] : memref<327680xi32, #tpu.memory_space<hbm>> -> memref<128xi32, #tpu.memory_space<hbm>>
    %dma_start3A_33 = tpu.memref_slice %arg3[%add3A_31] : memref<327680xi32, #tpu.memory_space<hbm>> -> memref<128xi32, #tpu.memory_space<hbm>>
    tpu.enqueue_dma source(%dma_start3A_33 : memref<128xi32, #tpu.memory_space<hbm>>) target(%arg8 : memref<128xi32, #tpu.memory_space<vmem>>) target_semaphore(%arg18 : memref<!tpu.dma_semaphore, #tpu.memory_space<semaphore_mem>>)
    %add3A_34 = arith.constant 256 : i32
    %add3A_35 = arith.addi %mul3A_4, %add3A_34 : i32
    %dma_start3A_36 = tpu.memref_slice %arg4[%add3A_35] : memref<327680xi32, #tpu.memory_space<hbm>> -> memref<128xi32, #tpu.memory_space<hbm>>
    %dma_start3A_37 = tpu.memref_slice %arg4[%add3A_35] : memref<327680xi32, #tpu.memory_space<hbm>> -> memref<128xi32, #tpu.memory_space<hbm>>
    tpu.enqueue_dma source(%dma_start3A_37 : memref<128xi32, #tpu.memory_space<hbm>>) target(%arg12 : memref<128xi32, #tpu.memory_space<vmem>>) target_semaphore(%arg22 : memref<!tpu.dma_semaphore, #tpu.memory_space<semaphore_mem>>)
    %add3A_38 = arith.constant 384 : i32
    %add3A_39 = arith.addi %mul3A_4, %add3A_38 : i32
    %dma_start3A_40 = tpu.memref_slice %arg3[%add3A_39] : memref<327680xi32, #tpu.memory_space<hbm>> -> memref<128xi32, #tpu.memory_space<hbm>>
    %dma_start3A_41 = tpu.memref_slice %arg3[%add3A_39] : memref<327680xi32, #tpu.memory_space<hbm>> -> memref<128xi32, #tpu.memory_space<hbm>>
    tpu.enqueue_dma source(%dma_start3A_41 : memref<128xi32, #tpu.memory_space<hbm>>) target(%arg9 : memref<128xi32, #tpu.memory_space<vmem>>) target_semaphore(%arg19 : memref<!tpu.dma_semaphore, #tpu.memory_space<semaphore_mem>>)
    %add3A_42 = arith.constant 384 : i32
    %add3A_43 = arith.addi %mul3A_4, %add3A_42 : i32
    %dma_start3A_44 = tpu.memref_slice %arg4[%add3A_43] : memref<327680xi32, #tpu.memory_space<hbm>> -> memref<128xi32, #tpu.memory_space<hbm>>
    %dma_start3A_45 = tpu.memref_slice %arg4[%add3A_43] : memref<327680xi32, #tpu.memory_space<hbm>> -> memref<128xi32, #tpu.memory_space<hbm>>
    tpu.enqueue_dma source(%dma_start3A_45 : memref<128xi32, #tpu.memory_space<hbm>>) target(%arg13 : memref<128xi32, #tpu.memory_space<vmem>>) target_semaphore(%arg23 : memref<!tpu.dma_semaphore, #tpu.memory_space<semaphore_mem>>)
    %dma_wait3A = tpu.memref_slice %arg3[%mul3A_4] : memref<327680xi32, #tpu.memory_space<hbm>> -> memref<128xi32, #tpu.memory_space<hbm>>
    %dma_wait3A_46 = tpu.memref_slice %arg3[%mul3A_4] : memref<327680xi32, #tpu.memory_space<hbm>> -> memref<128xi32, #tpu.memory_space<hbm>>
    tpu.wait_dma2 semaphore(%arg16 : memref<!tpu.dma_semaphore, #tpu.memory_space<semaphore_mem>>) src(%dma_wait3A_46 : memref<128xi32, #tpu.memory_space<hbm>>) dst(%arg6 : memref<128xi32, #tpu.memory_space<vmem>>)
    %dma_start3A_47 = arith.constant 0 : i32
    %dma_start3A_48 = arith.constant 0 : i32
    %dma_start3A_49 = tpu.memref_slice %arg2[%dma_start3A_47, %dma_start3A_48] : memref<10240x128xf32, #tpu.memory_space<hbm>> -> memref<10240x128xf32, #tpu.memory_space<hbm>>
    tpu.enqueue_indirect_dma source(%dma_start3A_49 : memref<10240x128xf32, #tpu.memory_space<hbm>>) target(%arg14 : memref<128x128xf32, #tpu.memory_space<vmem>>) offsets(%arg6 : memref<128xi32, #tpu.memory_space<vmem>>) semaphore(%arg24 : memref<!tpu.dma_semaphore, #tpu.memory_space<semaphore_mem>>)
    %dma_wait3A_50 = tpu.memref_slice %arg3[%mul3A_4] : memref<327680xi32, #tpu.memory_space<hbm>> -> memref<128xi32, #tpu.memory_space<hbm>>
    %dma_wait3A_51 = tpu.memref_slice %arg3[%mul3A_4] : memref<327680xi32, #tpu.memory_space<hbm>> -> memref<128xi32, #tpu.memory_space<hbm>>
    tpu.wait_dma2 semaphore(%arg17 : memref<!tpu.dma_semaphore, #tpu.memory_space<semaphore_mem>>) src(%dma_wait3A_51 : memref<128xi32, #tpu.memory_space<hbm>>) dst(%arg7 : memref<128xi32, #tpu.memory_space<vmem>>)
    %dma_start3A_52 = arith.constant 0 : i32
    %dma_start3A_53 = arith.constant 0 : i32
    %dma_start3A_54 = tpu.memref_slice %arg2[%dma_start3A_52, %dma_start3A_53] : memref<10240x128xf32, #tpu.memory_space<hbm>> -> memref<10240x128xf32, #tpu.memory_space<hbm>>
    tpu.enqueue_indirect_dma source(%dma_start3A_54 : memref<10240x128xf32, #tpu.memory_space<hbm>>) target(%arg15 : memref<128x128xf32, #tpu.memory_space<vmem>>) offsets(%arg7 : memref<128xi32, #tpu.memory_space<vmem>>) semaphore(%arg25 : memref<!tpu.dma_semaphore, #tpu.memory_space<semaphore_mem>>)
    %dma_wait3A_55 = arith.constant 0 : i32
    %dma_wait3A_56 = arith.constant 0 : i32
    %dma_wait3A_57 = tpu.memref_slice %arg2[%dma_wait3A_55, %dma_wait3A_56] : memref<10240x128xf32, #tpu.memory_space<hbm>> -> memref<10240x128xf32, #tpu.memory_space<hbm>>
    tpu.wait_indirect_dma semaphore(%arg24 : memref<!tpu.dma_semaphore, #tpu.memory_space<semaphore_mem>>) src(%dma_wait3A_57 : memref<10240x128xf32, #tpu.memory_space<hbm>>) dst(%arg14 : memref<128x128xf32, #tpu.memory_space<vmem>>)
    %add3A_58 = arith.constant 512 : i32
    %add3A_59 = arith.addi %mul3A_4, %add3A_58 : i32
    %dma_start3A_60 = tpu.memref_slice %arg3[%add3A_59] : memref<327680xi32, #tpu.memory_space<hbm>> -> memref<128xi32, #tpu.memory_space<hbm>>
    %dma_start3A_61 = tpu.memref_slice %arg3[%add3A_59] : memref<327680xi32, #tpu.memory_space<hbm>> -> memref<128xi32, #tpu.memory_space<hbm>>
    tpu.enqueue_dma source(%dma_start3A_61 : memref<128xi32, #tpu.memory_space<hbm>>) target(%arg6 : memref<128xi32, #tpu.memory_space<vmem>>) target_semaphore(%arg16 : memref<!tpu.dma_semaphore, #tpu.memory_space<semaphore_mem>>)
    %dma_wait3A_62 = tpu.memref_slice %arg4[%mul3A_4] : memref<327680xi32, #tpu.memory_space<hbm>> -> memref<128xi32, #tpu.memory_space<hbm>>
    %dma_wait3A_63 = tpu.memref_slice %arg4[%mul3A_4] : memref<327680xi32, #tpu.memory_space<hbm>> -> memref<128xi32, #tpu.memory_space<hbm>>
    tpu.wait_dma2 semaphore(%arg20 : memref<!tpu.dma_semaphore, #tpu.memory_space<semaphore_mem>>) src(%dma_wait3A_63 : memref<128xi32, #tpu.memory_space<hbm>>) dst(%arg10 : memref<128xi32, #tpu.memory_space<vmem>>)
    %dma_start3A_64 = arith.constant 0 : i32
    %dma_start3A_65 = arith.constant 0 : i32
    %dma_start3A_66 = tpu.memref_slice %arg28[%dma_start3A_64, %dma_start3A_65] : memref<10240x128xf32, #tpu.memory_space<vmem_shared>> -> memref<10240x128xf32, #tpu.memory_space<vmem_shared>>
    tpu.enqueue_indirect_dma source(%arg14 : memref<128x128xf32, #tpu.memory_space<vmem>>) target(%dma_start3A_66 : memref<10240x128xf32, #tpu.memory_space<vmem_shared>>) offsets(%arg10 : memref<128xi32, #tpu.memory_space<vmem>>) semaphore(%arg26 : memref<!tpu.dma_semaphore, #tpu.memory_space<semaphore_mem>>) {add = true}
    %dma_wait3A_67 = arith.constant 0 : i32
    %dma_wait3A_68 = arith.constant 0 : i32
    %dma_wait3A_69 = tpu.memref_slice %arg28[%dma_wait3A_67, %dma_wait3A_68] : memref<10240x128xf32, #tpu.memory_space<vmem_shared>> -> memref<10240x128xf32, #tpu.memory_space<vmem_shared>>
    tpu.wait_indirect_dma semaphore(%arg26 : memref<!tpu.dma_semaphore, #tpu.memory_space<semaphore_mem>>) src(%arg14 : memref<128x128xf32, #tpu.memory_space<vmem>>) dst(%dma_wait3A_69 : memref<10240x128xf32, #tpu.memory_space<vmem_shared>>)
    %add3A_70 = arith.constant 512 : i32
    %add3A_71 = arith.addi %mul3A_4, %add3A_70 : i32
    %dma_start3A_72 = tpu.memref_slice %arg4[%add3A_71] : memref<327680xi32, #tpu.memory_space<hbm>> -> memref<128xi32, #tpu.memory_space<hbm>>
    %dma_start3A_73 = tpu.memref_slice %arg4[%add3A_71] : memref<327680xi32, #tpu.memory_space<hbm>> -> memref<128xi32, #tpu.memory_space<hbm>>
    tpu.enqueue_dma source(%dma_start3A_73 : memref<128xi32, #tpu.memory_space<hbm>>) target(%arg10 : memref<128xi32, #tpu.memory_space<vmem>>) target_semaphore(%arg20 : memref<!tpu.dma_semaphore, #tpu.memory_space<semaphore_mem>>)
    %dma_wait3A_74 = tpu.memref_slice %arg3[%mul3A_4] : memref<327680xi32, #tpu.memory_space<hbm>> -> memref<128xi32, #tpu.memory_space<hbm>>
    %dma_wait3A_75 = tpu.memref_slice %arg3[%mul3A_4] : memref<327680xi32, #tpu.memory_space<hbm>> -> memref<128xi32, #tpu.memory_space<hbm>>
    tpu.wait_dma2 semaphore(%arg18 : memref<!tpu.dma_semaphore, #tpu.memory_space<semaphore_mem>>) src(%dma_wait3A_75 : memref<128xi32, #tpu.memory_space<hbm>>) dst(%arg8 : memref<128xi32, #tpu.memory_space<vmem>>)
    %dma_start3A_76 = arith.constant 0 : i32
    %dma_start3A_77 = arith.constant 0 : i32
    %dma_start3A_78 = tpu.memref_slice %arg2[%dma_start3A_76, %dma_start3A_77] : memref<10240x128xf32, #tpu.memory_space<hbm>> -> memref<10240x128xf32, #tpu.memory_space<hbm>>
    tpu.enqueue_indirect_dma source(%dma_start3A_78 : memref<10240x128xf32, #tpu.memory_space<hbm>>) target(%arg14 : memref<128x128xf32, #tpu.memory_space<vmem>>) offsets(%arg8 : memref<128xi32, #tpu.memory_space<vmem>>) semaphore(%arg24 : memref<!tpu.dma_semaphore, #tpu.memory_space<semaphore_mem>>)
    %dma_wait3A_79 = arith.constant 0 : i32
    %dma_wait3A_80 = arith.constant 0 : i32
    %dma_wait3A_81 = tpu.memref_slice %arg2[%dma_wait3A_79, %dma_wait3A_80] : memref<10240x128xf32, #tpu.memory_space<hbm>> -> memref<10240x128xf32, #tpu.memory_space<hbm>>
    tpu.wait_indirect_dma semaphore(%arg25 : memref<!tpu.dma_semaphore, #tpu.memory_space<semaphore_mem>>) src(%dma_wait3A_81 : memref<10240x128xf32, #tpu.memory_space<hbm>>) dst(%arg15 : memref<128x128xf32, #tpu.memory_space<vmem>>)
    %dma_wait3A_82 = tpu.memref_slice %arg4[%mul3A_4] : memref<327680xi32, #tpu.memory_space<hbm>> -> memref<128xi32, #tpu.memory_space<hbm>>
    %dma_wait3A_83 = tpu.memref_slice %arg4[%mul3A_4] : memref<327680xi32, #tpu.memory_space<hbm>> -> memref<128xi32, #tpu.memory_space<hbm>>
    tpu.wait_dma2 semaphore(%arg21 : memref<!tpu.dma_semaphore, #tpu.memory_space<semaphore_mem>>) src(%dma_wait3A_83 : memref<128xi32, #tpu.memory_space<hbm>>) dst(%arg11 : memref<128xi32, #tpu.memory_space<vmem>>)
    %dma_start3A_84 = arith.constant 0 : i32
    %dma_start3A_85 = arith.constant 0 : i32
    %dma_start3A_86 = tpu.memref_slice %arg28[%dma_start3A_84, %dma_start3A_85] : memref<10240x128xf32, #tpu.memory_space<vmem_shared>> -> memref<10240x128xf32, #tpu.memory_space<vmem_shared>>
    tpu.enqueue_indirect_dma source(%arg15 : memref<128x128xf32, #tpu.memory_space<vmem>>) target(%dma_start3A_86 : memref<10240x128xf32, #tpu.memory_space<vmem_shared>>) offsets(%arg11 : memref<128xi32, #tpu.memory_space<vmem>>) semaphore(%arg27 : memref<!tpu.dma_semaphore, #tpu.memory_space<semaphore_mem>>) {add = true}
    %add3A_87 = arith.constant 640 : i32
    %add3A_88 = arith.addi %mul3A_4, %add3A_87 : i32
    %dma_start3A_89 = tpu.memref_slice %arg3[%add3A_88] : memref<327680xi32, #tpu.memory_space<hbm>> -> memref<128xi32, #tpu.memory_space<hbm>>
    %dma_start3A_90 = tpu.memref_slice %arg3[%add3A_88] : memref<327680xi32, #tpu.memory_space<hbm>> -> memref<128xi32, #tpu.memory_space<hbm>>
    tpu.enqueue_dma source(%dma_start3A_90 : memref<128xi32, #tpu.memory_space<hbm>>) target(%arg7 : memref<128xi32, #tpu.memory_space<vmem>>) target_semaphore(%arg17 : memref<!tpu.dma_semaphore, #tpu.memory_space<semaphore_mem>>)
    %dma_wait3A_91 = arith.constant 0 : i32
    %dma_wait3A_92 = arith.constant 0 : i32
    %dma_wait3A_93 = tpu.memref_slice %arg28[%dma_wait3A_91, %dma_wait3A_92] : memref<10240x128xf32, #tpu.memory_space<vmem_shared>> -> memref<10240x128xf32, #tpu.memory_space<vmem_shared>>
    tpu.wait_indirect_dma semaphore(%arg27 : memref<!tpu.dma_semaphore, #tpu.memory_space<semaphore_mem>>) src(%arg14 : memref<128x128xf32, #tpu.memory_space<vmem>>) dst(%dma_wait3A_93 : memref<10240x128xf32, #tpu.memory_space<vmem_shared>>)
    %add3A_94 = arith.constant 640 : i32
    %add3A_95 = arith.addi %mul3A_4, %add3A_94 : i32
    %dma_start3A_96 = tpu.memref_slice %arg4[%add3A_95] : memref<327680xi32, #tpu.memory_space<hbm>> -> memref<128xi32, #tpu.memory_space<hbm>>
    %dma_start3A_97 = tpu.memref_slice %arg4[%add3A_95] : memref<327680xi32, #tpu.memory_space<hbm>> -> memref<128xi32, #tpu.memory_space<hbm>>
    tpu.enqueue_dma source(%dma_start3A_97 : memref<128xi32, #tpu.memory_space<hbm>>) target(%arg11 : memref<128xi32, #tpu.memory_space<vmem>>) target_semaphore(%arg21 : memref<!tpu.dma_semaphore, #tpu.memory_space<semaphore_mem>>)
    %dma_wait3A_98 = tpu.memref_slice %arg3[%mul3A_4] : memref<327680xi32, #tpu.memory_space<hbm>> -> memref<128xi32, #tpu.memory_space<hbm>>
    %dma_wait3A_99 = tpu.memref_slice %arg3[%mul3A_4] : memref<327680xi32, #tpu.memory_space<hbm>> -> memref<128xi32, #tpu.memory_space<hbm>>
    tpu.wait_dma2 semaphore(%arg19 : memref<!tpu.dma_semaphore, #tpu.memory_space<semaphore_mem>>) src(%dma_wait3A_99 : memref<128xi32, #tpu.memory_space<hbm>>) dst(%arg9 : memref<128xi32, #tpu.memory_space<vmem>>)
    %dma_start3A_100 = arith.constant 0 : i32
    %dma_start3A_101 = arith.constant 0 : i32
    %dma_start3A_102 = tpu.memref_slice %arg2[%dma_start3A_100, %dma_start3A_101] : memref<10240x128xf32, #tpu.memory_space<hbm>> -> memref<10240x128xf32, #tpu.memory_space<hbm>>
    tpu.enqueue_indirect_dma source(%dma_start3A_102 : memref<10240x128xf32, #tpu.memory_space<hbm>>) target(%arg15 : memref<128x128xf32, #tpu.memory_space<vmem>>) offsets(%arg9 : memref<128xi32, #tpu.memory_space<vmem>>) semaphore(%arg25 : memref<!tpu.dma_semaphore, #tpu.memory_space<semaphore_mem>>)
    %dma_wait3A_103 = arith.constant 0 : i32
    %dma_wait3A_104 = arith.constant 0 : i32
    %dma_wait3A_105 = tpu.memref_slice %arg2[%dma_wait3A_103, %dma_wait3A_104] : memref<10240x128xf32, #tpu.memory_space<hbm>> -> memref<10240x128xf32, #tpu.memory_space<hbm>>
    tpu.wait_indirect_dma semaphore(%arg24 : memref<!tpu.dma_semaphore, #tpu.memory_space<semaphore_mem>>) src(%dma_wait3A_105 : memref<10240x128xf32, #tpu.memory_space<hbm>>) dst(%arg14 : memref<128x128xf32, #tpu.memory_space<vmem>>)
    %dma_wait3A_106 = tpu.memref_slice %arg4[%mul3A_4] : memref<327680xi32, #tpu.memory_space<hbm>> -> memref<128xi32, #tpu.memory_space<hbm>>
    %dma_wait3A_107 = tpu.memref_slice %arg4[%mul3A_4] : memref<327680xi32, #tpu.memory_space<hbm>> -> memref<128xi32, #tpu.memory_space<hbm>>
    tpu.wait_dma2 semaphore(%arg22 : memref<!tpu.dma_semaphore, #tpu.memory_space<semaphore_mem>>) src(%dma_wait3A_107 : memref<128xi32, #tpu.memory_space<hbm>>) dst(%arg12 : memref<128xi32, #tpu.memory_space<vmem>>)
    %dma_start3A_108 = arith.constant 0 : i32
    %dma_start3A_109 = arith.constant 0 : i32
    %dma_start3A_110 = tpu.memref_slice %arg28[%dma_start3A_108, %dma_start3A_109] : memref<10240x128xf32, #tpu.memory_space<vmem_shared>> -> memref<10240x128xf32, #tpu.memory_space<vmem_shared>>
    tpu.enqueue_indirect_dma source(%arg14 : memref<128x128xf32, #tpu.memory_space<vmem>>) target(%dma_start3A_110 : memref<10240x128xf32, #tpu.memory_space<vmem_shared>>) offsets(%arg12 : memref<128xi32, #tpu.memory_space<vmem>>) semaphore(%arg26 : memref<!tpu.dma_semaphore, #tpu.memory_space<semaphore_mem>>) {add = true}
    %add3A_111 = arith.constant 768 : i32
    %add3A_112 = arith.addi %mul3A_4, %add3A_111 : i32
    %dma_start3A_113 = tpu.memref_slice %arg3[%add3A_112] : memref<327680xi32, #tpu.memory_space<hbm>> -> memref<128xi32, #tpu.memory_space<hbm>>
    %dma_start3A_114 = tpu.memref_slice %arg3[%add3A_112] : memref<327680xi32, #tpu.memory_space<hbm>> -> memref<128xi32, #tpu.memory_space<hbm>>
    tpu.enqueue_dma source(%dma_start3A_114 : memref<128xi32, #tpu.memory_space<hbm>>) target(%arg8 : memref<128xi32, #tpu.memory_space<vmem>>) target_semaphore(%arg18 : memref<!tpu.dma_semaphore, #tpu.memory_space<semaphore_mem>>)
    %scan3A_115 = arith.constant 0 : i32
    %scan3A_116 = arith.constant 18 : i32
    %scan3A_117 = arith.addi %scan3A_115, %scan3A_116 : i32
    %scan3A_118 = arith.constant 1 : i32
    scf.for %scan3A_218 = %scan3A_115 to %scan3A_117 step %scan3A_118  : i32 {
      %mul3A_219 = arith.constant 1 : i32
      %mul3A_220 = arith.muli %scan3A_218, %mul3A_219 : i32
      %add3A_221 = arith.constant 0 : i32
      %add3A_222 = arith.addi %add3A_221, %mul3A_220 : i32
      %mul3A_223 = arith.constant 4 : i32
      %mul3A_224 = arith.muli %mul3A_223, %add3A_222 : i32
      %add3A_225 = arith.constant 4 : i32
      %add3A_226 = arith.addi %add3A_225, %mul3A_224 : i32
      %add3A_227 = arith.constant 0 : i32
      %add3A_228 = arith.addi %add3A_226, %add3A_227 : i32
      %dma_wait3A_229 = arith.constant 0 : i32
      %dma_wait3A_230 = arith.constant 0 : i32
      %dma_wait3A_231 = tpu.memref_slice %arg28[%dma_wait3A_229, %dma_wait3A_230] : memref<10240x128xf32, #tpu.memory_space<vmem_shared>> -> memref<10240x128xf32, #tpu.memory_space<vmem_shared>>
      tpu.wait_indirect_dma semaphore(%arg26 : memref<!tpu.dma_semaphore, #tpu.memory_space<semaphore_mem>>) src(%arg14 : memref<128x128xf32, #tpu.memory_space<vmem>>) dst(%dma_wait3A_231 : memref<10240x128xf32, #tpu.memory_space<vmem_shared>>)
      %add3A_232 = arith.constant 2 : i32
      %add3A_233 = arith.addi %add3A_228, %add3A_232 : i32
      %mul3A_234 = arith.constant 128 : i32
      %mul3A_235 = arith.muli %add3A_233, %mul3A_234 : i32
      %add3A_236 = arith.addi %mul3A_4, %mul3A_235 : i32
      %dma_start3A_237 = tpu.memref_slice %arg4[%add3A_236] : memref<327680xi32, #tpu.memory_space<hbm>> -> memref<128xi32, #tpu.memory_space<hbm>>
      %dma_start3A_238 = tpu.memref_slice %arg4[%add3A_236] : memref<327680xi32, #tpu.memory_space<hbm>> -> memref<128xi32, #tpu.memory_space<hbm>>
      tpu.enqueue_dma source(%dma_start3A_238 : memref<128xi32, #tpu.memory_space<hbm>>) target(%arg12 : memref<128xi32, #tpu.memory_space<vmem>>) target_semaphore(%arg22 : memref<!tpu.dma_semaphore, #tpu.memory_space<semaphore_mem>>)
      %dma_wait3A_239 = tpu.memref_slice %arg3[%mul3A_4] : memref<327680xi32, #tpu.memory_space<hbm>> -> memref<128xi32, #tpu.memory_space<hbm>>
      %dma_wait3A_240 = tpu.memref_slice %arg3[%mul3A_4] : memref<327680xi32, #tpu.memory_space<hbm>> -> memref<128xi32, #tpu.memory_space<hbm>>
      tpu.wait_dma2 semaphore(%arg16 : memref<!tpu.dma_semaphore, #tpu.memory_space<semaphore_mem>>) src(%dma_wait3A_240 : memref<128xi32, #tpu.memory_space<hbm>>) dst(%arg6 : memref<128xi32, #tpu.memory_space<vmem>>)
      %dma_start3A_241 = arith.constant 0 : i32
      %dma_start3A_242 = arith.constant 0 : i32
      %dma_start3A_243 = tpu.memref_slice %arg2[%dma_start3A_241, %dma_start3A_242] : memref<10240x128xf32, #tpu.memory_space<hbm>> -> memref<10240x128xf32, #tpu.memory_space<hbm>>
      tpu.enqueue_indirect_dma source(%dma_start3A_243 : memref<10240x128xf32, #tpu.memory_space<hbm>>) target(%arg14 : memref<128x128xf32, #tpu.memory_space<vmem>>) offsets(%arg6 : memref<128xi32, #tpu.memory_space<vmem>>) semaphore(%arg24 : memref<!tpu.dma_semaphore, #tpu.memory_space<semaphore_mem>>)
      %dma_wait3A_244 = arith.constant 0 : i32
      %dma_wait3A_245 = arith.constant 0 : i32
      %dma_wait3A_246 = tpu.memref_slice %arg2[%dma_wait3A_244, %dma_wait3A_245] : memref<10240x128xf32, #tpu.memory_space<hbm>> -> memref<10240x128xf32, #tpu.memory_space<hbm>>
      tpu.wait_indirect_dma semaphore(%arg25 : memref<!tpu.dma_semaphore, #tpu.memory_space<semaphore_mem>>) src(%dma_wait3A_246 : memref<10240x128xf32, #tpu.memory_space<hbm>>) dst(%arg15 : memref<128x128xf32, #tpu.memory_space<vmem>>)
      %dma_wait3A_247 = tpu.memref_slice %arg4[%mul3A_4] : memref<327680xi32, #tpu.memory_space<hbm>> -> memref<128xi32, #tpu.memory_space<hbm>>
      %dma_wait3A_248 = tpu.memref_slice %arg4[%mul3A_4] : memref<327680xi32, #tpu.memory_space<hbm>> -> memref<128xi32, #tpu.memory_space<hbm>>
      tpu.wait_dma2 semaphore(%arg23 : memref<!tpu.dma_semaphore, #tpu.memory_space<semaphore_mem>>) src(%dma_wait3A_248 : memref<128xi32, #tpu.memory_space<hbm>>) dst(%arg13 : memref<128xi32, #tpu.memory_space<vmem>>)
      %dma_start3A_249 = arith.constant 0 : i32
      %dma_start3A_250 = arith.constant 0 : i32
      %dma_start3A_251 = tpu.memref_slice %arg28[%dma_start3A_249, %dma_start3A_250] : memref<10240x128xf32, #tpu.memory_space<vmem_shared>> -> memref<10240x128xf32, #tpu.memory_space<vmem_shared>>
      tpu.enqueue_indirect_dma source(%arg15 : memref<128x128xf32, #tpu.memory_space<vmem>>) target(%dma_start3A_251 : memref<10240x128xf32, #tpu.memory_space<vmem_shared>>) offsets(%arg13 : memref<128xi32, #tpu.memory_space<vmem>>) semaphore(%arg27 : memref<!tpu.dma_semaphore, #tpu.memory_space<semaphore_mem>>) {add = true}
      %add3A_252 = arith.constant 3 : i32
      %add3A_253 = arith.addi %add3A_228, %add3A_252 : i32
      %mul3A_254 = arith.constant 128 : i32
      %mul3A_255 = arith.muli %add3A_253, %mul3A_254 : i32
      %add3A_256 = arith.addi %mul3A_4, %mul3A_255 : i32
      %dma_start3A_257 = tpu.memref_slice %arg3[%add3A_256] : memref<327680xi32, #tpu.memory_space<hbm>> -> memref<128xi32, #tpu.memory_space<hbm>>
      %dma_start3A_258 = tpu.memref_slice %arg3[%add3A_256] : memref<327680xi32, #tpu.memory_space<hbm>> -> memref<128xi32, #tpu.memory_space<hbm>>
      tpu.enqueue_dma source(%dma_start3A_258 : memref<128xi32, #tpu.memory_space<hbm>>) target(%arg9 : memref<128xi32, #tpu.memory_space<vmem>>) target_semaphore(%arg19 : memref<!tpu.dma_semaphore, #tpu.memory_space<semaphore_mem>>)
      %add3A_259 = arith.constant 1 : i32
      %add3A_260 = arith.addi %add3A_226, %add3A_259 : i32
      %dma_wait3A_261 = arith.constant 0 : i32
      %dma_wait3A_262 = arith.constant 0 : i32
      %dma_wait3A_263 = tpu.memref_slice %arg28[%dma_wait3A_261, %dma_wait3A_262] : memref<10240x128xf32, #tpu.memory_space<vmem_shared>> -> memref<10240x128xf32, #tpu.memory_space<vmem_shared>>
      tpu.wait_indirect_dma semaphore(%arg27 : memref<!tpu.dma_semaphore, #tpu.memory_space<semaphore_mem>>) src(%arg14 : memref<128x128xf32, #tpu.memory_space<vmem>>) dst(%dma_wait3A_263 : memref<10240x128xf32, #tpu.memory_space<vmem_shared>>)
      %add3A_264 = arith.constant 2 : i32
      %add3A_265 = arith.addi %add3A_260, %add3A_264 : i32
      %mul3A_266 = arith.constant 128 : i32
      %mul3A_267 = arith.muli %add3A_265, %mul3A_266 : i32
      %add3A_268 = arith.addi %mul3A_4, %mul3A_267 : i32
      %dma_start3A_269 = tpu.memref_slice %arg4[%add3A_268] : memref<327680xi32, #tpu.memory_space<hbm>> -> memref<128xi32, #tpu.memory_space<hbm>>
      %dma_start3A_270 = tpu.memref_slice %arg4[%add3A_268] : memref<327680xi32, #tpu.memory_space<hbm>> -> memref<128xi32, #tpu.memory_space<hbm>>
      tpu.enqueue_dma source(%dma_start3A_270 : memref<128xi32, #tpu.memory_space<hbm>>) target(%arg13 : memref<128xi32, #tpu.memory_space<vmem>>) target_semaphore(%arg23 : memref<!tpu.dma_semaphore, #tpu.memory_space<semaphore_mem>>)
      %dma_wait3A_271 = tpu.memref_slice %arg3[%mul3A_4] : memref<327680xi32, #tpu.memory_space<hbm>> -> memref<128xi32, #tpu.memory_space<hbm>>
      %dma_wait3A_272 = tpu.memref_slice %arg3[%mul3A_4] : memref<327680xi32, #tpu.memory_space<hbm>> -> memref<128xi32, #tpu.memory_space<hbm>>
      tpu.wait_dma2 semaphore(%arg17 : memref<!tpu.dma_semaphore, #tpu.memory_space<semaphore_mem>>) src(%dma_wait3A_272 : memref<128xi32, #tpu.memory_space<hbm>>) dst(%arg7 : memref<128xi32, #tpu.memory_space<vmem>>)
      %dma_start3A_273 = arith.constant 0 : i32
      %dma_start3A_274 = arith.constant 0 : i32
      %dma_start3A_275 = tpu.memref_slice %arg2[%dma_start3A_273, %dma_start3A_274] : memref<10240x128xf32, #tpu.memory_space<hbm>> -> memref<10240x128xf32, #tpu.memory_space<hbm>>
      tpu.enqueue_indirect_dma source(%dma_start3A_275 : memref<10240x128xf32, #tpu.memory_space<hbm>>) target(%arg15 : memref<128x128xf32, #tpu.memory_space<vmem>>) offsets(%arg7 : memref<128xi32, #tpu.memory_space<vmem>>) semaphore(%arg25 : memref<!tpu.dma_semaphore, #tpu.memory_space<semaphore_mem>>)
      %dma_wait3A_276 = arith.constant 0 : i32
      %dma_wait3A_277 = arith.constant 0 : i32
      %dma_wait3A_278 = tpu.memref_slice %arg2[%dma_wait3A_276, %dma_wait3A_277] : memref<10240x128xf32, #tpu.memory_space<hbm>> -> memref<10240x128xf32, #tpu.memory_space<hbm>>
      tpu.wait_indirect_dma semaphore(%arg24 : memref<!tpu.dma_semaphore, #tpu.memory_space<semaphore_mem>>) src(%dma_wait3A_278 : memref<10240x128xf32, #tpu.memory_space<hbm>>) dst(%arg14 : memref<128x128xf32, #tpu.memory_space<vmem>>)
      %dma_wait3A_279 = tpu.memref_slice %arg4[%mul3A_4] : memref<327680xi32, #tpu.memory_space<hbm>> -> memref<128xi32, #tpu.memory_space<hbm>>
      %dma_wait3A_280 = tpu.memref_slice %arg4[%mul3A_4] : memref<327680xi32, #tpu.memory_space<hbm>> -> memref<128xi32, #tpu.memory_space<hbm>>
      tpu.wait_dma2 semaphore(%arg20 : memref<!tpu.dma_semaphore, #tpu.memory_space<semaphore_mem>>) src(%dma_wait3A_280 : memref<128xi32, #tpu.memory_space<hbm>>) dst(%arg10 : memref<128xi32, #tpu.memory_space<vmem>>)
      %dma_start3A_281 = arith.constant 0 : i32
      %dma_start3A_282 = arith.constant 0 : i32
      %dma_start3A_283 = tpu.memref_slice %arg28[%dma_start3A_281, %dma_start3A_282] : memref<10240x128xf32, #tpu.memory_space<vmem_shared>> -> memref<10240x128xf32, #tpu.memory_space<vmem_shared>>
      tpu.enqueue_indirect_dma source(%arg14 : memref<128x128xf32, #tpu.memory_space<vmem>>) target(%dma_start3A_283 : memref<10240x128xf32, #tpu.memory_space<vmem_shared>>) offsets(%arg10 : memref<128xi32, #tpu.memory_space<vmem>>) semaphore(%arg26 : memref<!tpu.dma_semaphore, #tpu.memory_space<semaphore_mem>>) {add = true}
      %add3A_284 = arith.constant 3 : i32
      %add3A_285 = arith.addi %add3A_260, %add3A_284 : i32
      %mul3A_286 = arith.constant 128 : i32
      %mul3A_287 = arith.muli %add3A_285, %mul3A_286 : i32
      %add3A_288 = arith.addi %mul3A_4, %mul3A_287 : i32
      %dma_start3A_289 = tpu.memref_slice %arg3[%add3A_288] : memref<327680xi32, #tpu.memory_space<hbm>> -> memref<128xi32, #tpu.memory_space<hbm>>
      %dma_start3A_290 = tpu.memref_slice %arg3[%add3A_288] : memref<327680xi32, #tpu.memory_space<hbm>> -> memref<128xi32, #tpu.memory_space<hbm>>
      tpu.enqueue_dma source(%dma_start3A_290 : memref<128xi32, #tpu.memory_space<hbm>>) target(%arg6 : memref<128xi32, #tpu.memory_space<vmem>>) target_semaphore(%arg16 : memref<!tpu.dma_semaphore, #tpu.memory_space<semaphore_mem>>)
      %add3A_291 = arith.constant 2 : i32
      %add3A_292 = arith.addi %add3A_226, %add3A_291 : i32
      %dma_wait3A_293 = arith.constant 0 : i32
      %dma_wait3A_294 = arith.constant 0 : i32
      %dma_wait3A_295 = tpu.memref_slice %arg28[%dma_wait3A_293, %dma_wait3A_294] : memref<10240x128xf32, #tpu.memory_space<vmem_shared>> -> memref<10240x128xf32, #tpu.memory_space<vmem_shared>>
      tpu.wait_indirect_dma semaphore(%arg26 : memref<!tpu.dma_semaphore, #tpu.memory_space<semaphore_mem>>) src(%arg14 : memref<128x128xf32, #tpu.memory_space<vmem>>) dst(%dma_wait3A_295 : memref<10240x128xf32, #tpu.memory_space<vmem_shared>>)
      %add3A_296 = arith.constant 2 : i32
      %add3A_297 = arith.addi %add3A_292, %add3A_296 : i32
      %mul3A_298 = arith.constant 128 : i32
      %mul3A_299 = arith.muli %add3A_297, %mul3A_298 : i32
      %add3A_300 = arith.addi %mul3A_4, %mul3A_299 : i32
      %dma_start3A_301 = tpu.memref_slice %arg4[%add3A_300] : memref<327680xi32, #tpu.memory_space<hbm>> -> memref<128xi32, #tpu.memory_space<hbm>>
      %dma_start3A_302 = tpu.memref_slice %arg4[%add3A_300] : memref<327680xi32, #tpu.memory_space<hbm>> -> memref<128xi32, #tpu.memory_space<hbm>>
      tpu.enqueue_dma source(%dma_start3A_302 : memref<128xi32, #tpu.memory_space<hbm>>) target(%arg10 : memref<128xi32, #tpu.memory_space<vmem>>) target_semaphore(%arg20 : memref<!tpu.dma_semaphore, #tpu.memory_space<semaphore_mem>>)
      %dma_wait3A_303 = tpu.memref_slice %arg3[%mul3A_4] : memref<327680xi32, #tpu.memory_space<hbm>> -> memref<128xi32, #tpu.memory_space<hbm>>
      %dma_wait3A_304 = tpu.memref_slice %arg3[%mul3A_4] : memref<327680xi32, #tpu.memory_space<hbm>> -> memref<128xi32, #tpu.memory_space<hbm>>
      tpu.wait_dma2 semaphore(%arg18 : memref<!tpu.dma_semaphore, #tpu.memory_space<semaphore_mem>>) src(%dma_wait3A_304 : memref<128xi32, #tpu.memory_space<hbm>>) dst(%arg8 : memref<128xi32, #tpu.memory_space<vmem>>)
      %dma_start3A_305 = arith.constant 0 : i32
      %dma_start3A_306 = arith.constant 0 : i32
      %dma_start3A_307 = tpu.memref_slice %arg2[%dma_start3A_305, %dma_start3A_306] : memref<10240x128xf32, #tpu.memory_space<hbm>> -> memref<10240x128xf32, #tpu.memory_space<hbm>>
      tpu.enqueue_indirect_dma source(%dma_start3A_307 : memref<10240x128xf32, #tpu.memory_space<hbm>>) target(%arg14 : memref<128x128xf32, #tpu.memory_space<vmem>>) offsets(%arg8 : memref<128xi32, #tpu.memory_space<vmem>>) semaphore(%arg24 : memref<!tpu.dma_semaphore, #tpu.memory_space<semaphore_mem>>)
      %dma_wait3A_308 = arith.constant 0 : i32
      %dma_wait3A_309 = arith.constant 0 : i32
      %dma_wait3A_310 = tpu.memref_slice %arg2[%dma_wait3A_308, %dma_wait3A_309] : memref<10240x128xf32, #tpu.memory_space<hbm>> -> memref<10240x128xf32, #tpu.memory_space<hbm>>
      tpu.wait_indirect_dma semaphore(%arg25 : memref<!tpu.dma_semaphore, #tpu.memory_space<semaphore_mem>>) src(%dma_wait3A_310 : memref<10240x128xf32, #tpu.memory_space<hbm>>) dst(%arg15 : memref<128x128xf32, #tpu.memory_space<vmem>>)
      %dma_wait3A_311 = tpu.memref_slice %arg4[%mul3A_4] : memref<327680xi32, #tpu.memory_space<hbm>> -> memref<128xi32, #tpu.memory_space<hbm>>
      %dma_wait3A_312 = tpu.memref_slice %arg4[%mul3A_4] : memref<327680xi32, #tpu.memory_space<hbm>> -> memref<128xi32, #tpu.memory_space<hbm>>
      tpu.wait_dma2 semaphore(%arg21 : memref<!tpu.dma_semaphore, #tpu.memory_space<semaphore_mem>>) src(%dma_wait3A_312 : memref<128xi32, #tpu.memory_space<hbm>>) dst(%arg11 : memref<128xi32, #tpu.memory_space<vmem>>)
      %dma_start3A_313 = arith.constant 0 : i32
      %dma_start3A_314 = arith.constant 0 : i32
      %dma_start3A_315 = tpu.memref_slice %arg28[%dma_start3A_313, %dma_start3A_314] : memref<10240x128xf32, #tpu.memory_space<vmem_shared>> -> memref<10240x128xf32, #tpu.memory_space<vmem_shared>>
      tpu.enqueue_indirect_dma source(%arg15 : memref<128x128xf32, #tpu.memory_space<vmem>>) target(%dma_start3A_315 : memref<10240x128xf32, #tpu.memory_space<vmem_shared>>) offsets(%arg11 : memref<128xi32, #tpu.memory_space<vmem>>) semaphore(%arg27 : memref<!tpu.dma_semaphore, #tpu.memory_space<semaphore_mem>>) {add = true}
      %add3A_316 = arith.constant 3 : i32
      %add3A_317 = arith.addi %add3A_292, %add3A_316 : i32
      %mul3A_318 = arith.constant 128 : i32
      %mul3A_319 = arith.muli %add3A_317, %mul3A_318 : i32
      %add3A_320 = arith.addi %mul3A_4, %mul3A_319 : i32
      %dma_start3A_321 = tpu.memref_slice %arg3[%add3A_320] : memref<327680xi32, #tpu.memory_space<hbm>> -> memref<128xi32, #tpu.memory_space<hbm>>
      %dma_start3A_322 = tpu.memref_slice %arg3[%add3A_320] : memref<327680xi32, #tpu.memory_space<hbm>> -> memref<128xi32, #tpu.memory_space<hbm>>
      tpu.enqueue_dma source(%dma_start3A_322 : memref<128xi32, #tpu.memory_space<hbm>>) target(%arg7 : memref<128xi32, #tpu.memory_space<vmem>>) target_semaphore(%arg17 : memref<!tpu.dma_semaphore, #tpu.memory_space<semaphore_mem>>)
      %add3A_323 = arith.constant 3 : i32
      %add3A_324 = arith.addi %add3A_226, %add3A_323 : i32
      %dma_wait3A_325 = arith.constant 0 : i32
      %dma_wait3A_326 = arith.constant 0 : i32
      %dma_wait3A_327 = tpu.memref_slice %arg28[%dma_wait3A_325, %dma_wait3A_326] : memref<10240x128xf32, #tpu.memory_space<vmem_shared>> -> memref<10240x128xf32, #tpu.memory_space<vmem_shared>>
      tpu.wait_indirect_dma semaphore(%arg27 : memref<!tpu.dma_semaphore, #tpu.memory_space<semaphore_mem>>) src(%arg14 : memref<128x128xf32, #tpu.memory_space<vmem>>) dst(%dma_wait3A_327 : memref<10240x128xf32, #tpu.memory_space<vmem_shared>>)
      %add3A_328 = arith.constant 2 : i32
      %add3A_329 = arith.addi %add3A_324, %add3A_328 : i32
      %mul3A_330 = arith.constant 128 : i32
      %mul3A_331 = arith.muli %add3A_329, %mul3A_330 : i32
      %add3A_332 = arith.addi %mul3A_4, %mul3A_331 : i32
      %dma_start3A_333 = tpu.memref_slice %arg4[%add3A_332] : memref<327680xi32, #tpu.memory_space<hbm>> -> memref<128xi32, #tpu.memory_space<hbm>>
      %dma_start3A_334 = tpu.memref_slice %arg4[%add3A_332] : memref<327680xi32, #tpu.memory_space<hbm>> -> memref<128xi32, #tpu.memory_space<hbm>>
      tpu.enqueue_dma source(%dma_start3A_334 : memref<128xi32, #tpu.memory_space<hbm>>) target(%arg11 : memref<128xi32, #tpu.memory_space<vmem>>) target_semaphore(%arg21 : memref<!tpu.dma_semaphore, #tpu.memory_space<semaphore_mem>>)
      %dma_wait3A_335 = tpu.memref_slice %arg3[%mul3A_4] : memref<327680xi32, #tpu.memory_space<hbm>> -> memref<128xi32, #tpu.memory_space<hbm>>
      %dma_wait3A_336 = tpu.memref_slice %arg3[%mul3A_4] : memref<327680xi32, #tpu.memory_space<hbm>> -> memref<128xi32, #tpu.memory_space<hbm>>
      tpu.wait_dma2 semaphore(%arg19 : memref<!tpu.dma_semaphore, #tpu.memory_space<semaphore_mem>>) src(%dma_wait3A_336 : memref<128xi32, #tpu.memory_space<hbm>>) dst(%arg9 : memref<128xi32, #tpu.memory_space<vmem>>)
      %dma_start3A_337 = arith.constant 0 : i32
      %dma_start3A_338 = arith.constant 0 : i32
      %dma_start3A_339 = tpu.memref_slice %arg2[%dma_start3A_337, %dma_start3A_338] : memref<10240x128xf32, #tpu.memory_space<hbm>> -> memref<10240x128xf32, #tpu.memory_space<hbm>>
      tpu.enqueue_indirect_dma source(%dma_start3A_339 : memref<10240x128xf32, #tpu.memory_space<hbm>>) target(%arg15 : memref<128x128xf32, #tpu.memory_space<vmem>>) offsets(%arg9 : memref<128xi32, #tpu.memory_space<vmem>>) semaphore(%arg25 : memref<!tpu.dma_semaphore, #tpu.memory_space<semaphore_mem>>)
      %dma_wait3A_340 = arith.constant 0 : i32
      %dma_wait3A_341 = arith.constant 0 : i32
      %dma_wait3A_342 = tpu.memref_slice %arg2[%dma_wait3A_340, %dma_wait3A_341] : memref<10240x128xf32, #tpu.memory_space<hbm>> -> memref<10240x128xf32, #tpu.memory_space<hbm>>
      tpu.wait_indirect_dma semaphore(%arg24 : memref<!tpu.dma_semaphore, #tpu.memory_space<semaphore_mem>>) src(%dma_wait3A_342 : memref<10240x128xf32, #tpu.memory_space<hbm>>) dst(%arg14 : memref<128x128xf32, #tpu.memory_space<vmem>>)
      %dma_wait3A_343 = tpu.memref_slice %arg4[%mul3A_4] : memref<327680xi32, #tpu.memory_space<hbm>> -> memref<128xi32, #tpu.memory_space<hbm>>
      %dma_wait3A_344 = tpu.memref_slice %arg4[%mul3A_4] : memref<327680xi32, #tpu.memory_space<hbm>> -> memref<128xi32, #tpu.memory_space<hbm>>
      tpu.wait_dma2 semaphore(%arg22 : memref<!tpu.dma_semaphore, #tpu.memory_space<semaphore_mem>>) src(%dma_wait3A_344 : memref<128xi32, #tpu.memory_space<hbm>>) dst(%arg12 : memref<128xi32, #tpu.memory_space<vmem>>)
      %dma_start3A_345 = arith.constant 0 : i32
      %dma_start3A_346 = arith.constant 0 : i32
      %dma_start3A_347 = tpu.memref_slice %arg28[%dma_start3A_345, %dma_start3A_346] : memref<10240x128xf32, #tpu.memory_space<vmem_shared>> -> memref<10240x128xf32, #tpu.memory_space<vmem_shared>>
      tpu.enqueue_indirect_dma source(%arg14 : memref<128x128xf32, #tpu.memory_space<vmem>>) target(%dma_start3A_347 : memref<10240x128xf32, #tpu.memory_space<vmem_shared>>) offsets(%arg12 : memref<128xi32, #tpu.memory_space<vmem>>) semaphore(%arg26 : memref<!tpu.dma_semaphore, #tpu.memory_space<semaphore_mem>>) {add = true}
      %add3A_348 = arith.constant 3 : i32
      %add3A_349 = arith.addi %add3A_324, %add3A_348 : i32
      %mul3A_350 = arith.constant 128 : i32
      %mul3A_351 = arith.muli %add3A_349, %mul3A_350 : i32
      %add3A_352 = arith.addi %mul3A_4, %mul3A_351 : i32
      %dma_start3A_353 = tpu.memref_slice %arg3[%add3A_352] : memref<327680xi32, #tpu.memory_space<hbm>> -> memref<128xi32, #tpu.memory_space<hbm>>
      %dma_start3A_354 = tpu.memref_slice %arg3[%add3A_352] : memref<327680xi32, #tpu.memory_space<hbm>> -> memref<128xi32, #tpu.memory_space<hbm>>
      tpu.enqueue_dma source(%dma_start3A_354 : memref<128xi32, #tpu.memory_space<hbm>>) target(%arg8 : memref<128xi32, #tpu.memory_space<vmem>>) target_semaphore(%arg18 : memref<!tpu.dma_semaphore, #tpu.memory_space<semaphore_mem>>)
    }
    %scan3A_119 = arith.constant 18 : i32
    %dma_wait3A_120 = arith.constant 0 : i32
    %dma_wait3A_121 = arith.constant 0 : i32
    %dma_wait3A_122 = tpu.memref_slice %arg28[%dma_wait3A_120, %dma_wait3A_121] : memref<10240x128xf32, #tpu.memory_space<vmem_shared>> -> memref<10240x128xf32, #tpu.memory_space<vmem_shared>>
    tpu.wait_indirect_dma semaphore(%arg26 : memref<!tpu.dma_semaphore, #tpu.memory_space<semaphore_mem>>) src(%arg14 : memref<128x128xf32, #tpu.memory_space<vmem>>) dst(%dma_wait3A_122 : memref<10240x128xf32, #tpu.memory_space<vmem_shared>>)
    %add3A_123 = arith.constant 9984 : i32
    %add3A_124 = arith.addi %mul3A_4, %add3A_123 : i32
    %dma_start3A_125 = tpu.memref_slice %arg4[%add3A_124] : memref<327680xi32, #tpu.memory_space<hbm>> -> memref<128xi32, #tpu.memory_space<hbm>>
    %dma_start3A_126 = tpu.memref_slice %arg4[%add3A_124] : memref<327680xi32, #tpu.memory_space<hbm>> -> memref<128xi32, #tpu.memory_space<hbm>>
    tpu.enqueue_dma source(%dma_start3A_126 : memref<128xi32, #tpu.memory_space<hbm>>) target(%arg12 : memref<128xi32, #tpu.memory_space<vmem>>) target_semaphore(%arg22 : memref<!tpu.dma_semaphore, #tpu.memory_space<semaphore_mem>>)
    %dma_wait3A_127 = tpu.memref_slice %arg3[%mul3A_4] : memref<327680xi32, #tpu.memory_space<hbm>> -> memref<128xi32, #tpu.memory_space<hbm>>
    %dma_wait3A_128 = tpu.memref_slice %arg3[%mul3A_4] : memref<327680xi32, #tpu.memory_space<hbm>> -> memref<128xi32, #tpu.memory_space<hbm>>
    tpu.wait_dma2 semaphore(%arg16 : memref<!tpu.dma_semaphore, #tpu.memory_space<semaphore_mem>>) src(%dma_wait3A_128 : memref<128xi32, #tpu.memory_space<hbm>>) dst(%arg6 : memref<128xi32, #tpu.memory_space<vmem>>)
    %dma_start3A_129 = arith.constant 0 : i32
    %dma_start3A_130 = arith.constant 0 : i32
    %dma_start3A_131 = tpu.memref_slice %arg2[%dma_start3A_129, %dma_start3A_130] : memref<10240x128xf32, #tpu.memory_space<hbm>> -> memref<10240x128xf32, #tpu.memory_space<hbm>>
    tpu.enqueue_indirect_dma source(%dma_start3A_131 : memref<10240x128xf32, #tpu.memory_space<hbm>>) target(%arg14 : memref<128x128xf32, #tpu.memory_space<vmem>>) offsets(%arg6 : memref<128xi32, #tpu.memory_space<vmem>>) semaphore(%arg24 : memref<!tpu.dma_semaphore, #tpu.memory_space<semaphore_mem>>)
    %dma_wait3A_132 = arith.constant 0 : i32
    %dma_wait3A_133 = arith.constant 0 : i32
    %dma_wait3A_134 = tpu.memref_slice %arg2[%dma_wait3A_132, %dma_wait3A_133] : memref<10240x128xf32, #tpu.memory_space<hbm>> -> memref<10240x128xf32, #tpu.memory_space<hbm>>
    tpu.wait_indirect_dma semaphore(%arg25 : memref<!tpu.dma_semaphore, #tpu.memory_space<semaphore_mem>>) src(%dma_wait3A_134 : memref<10240x128xf32, #tpu.memory_space<hbm>>) dst(%arg15 : memref<128x128xf32, #tpu.memory_space<vmem>>)
    %dma_wait3A_135 = tpu.memref_slice %arg4[%mul3A_4] : memref<327680xi32, #tpu.memory_space<hbm>> -> memref<128xi32, #tpu.memory_space<hbm>>
    %dma_wait3A_136 = tpu.memref_slice %arg4[%mul3A_4] : memref<327680xi32, #tpu.memory_space<hbm>> -> memref<128xi32, #tpu.memory_space<hbm>>
    tpu.wait_dma2 semaphore(%arg23 : memref<!tpu.dma_semaphore, #tpu.memory_space<semaphore_mem>>) src(%dma_wait3A_136 : memref<128xi32, #tpu.memory_space<hbm>>) dst(%arg13 : memref<128xi32, #tpu.memory_space<vmem>>)
    %dma_start3A_137 = arith.constant 0 : i32
    %dma_start3A_138 = arith.constant 0 : i32
    %dma_start3A_139 = tpu.memref_slice %arg28[%dma_start3A_137, %dma_start3A_138] : memref<10240x128xf32, #tpu.memory_space<vmem_shared>> -> memref<10240x128xf32, #tpu.memory_space<vmem_shared>>
    tpu.enqueue_indirect_dma source(%arg15 : memref<128x128xf32, #tpu.memory_space<vmem>>) target(%dma_start3A_139 : memref<10240x128xf32, #tpu.memory_space<vmem_shared>>) offsets(%arg13 : memref<128xi32, #tpu.memory_space<vmem>>) semaphore(%arg27 : memref<!tpu.dma_semaphore, #tpu.memory_space<semaphore_mem>>) {add = true}
    %add3A_140 = arith.constant 10112 : i32
    %add3A_141 = arith.addi %mul3A_4, %add3A_140 : i32
    %dma_start3A_142 = tpu.memref_slice %arg3[%add3A_141] : memref<327680xi32, #tpu.memory_space<hbm>> -> memref<128xi32, #tpu.memory_space<hbm>>
    %dma_start3A_143 = tpu.memref_slice %arg3[%add3A_141] : memref<327680xi32, #tpu.memory_space<hbm>> -> memref<128xi32, #tpu.memory_space<hbm>>
    tpu.enqueue_dma source(%dma_start3A_143 : memref<128xi32, #tpu.memory_space<hbm>>) target(%arg9 : memref<128xi32, #tpu.memory_space<vmem>>) target_semaphore(%arg19 : memref<!tpu.dma_semaphore, #tpu.memory_space<semaphore_mem>>)
    %dma_wait3A_144 = arith.constant 0 : i32
    %dma_wait3A_145 = arith.constant 0 : i32
    %dma_wait3A_146 = tpu.memref_slice %arg28[%dma_wait3A_144, %dma_wait3A_145] : memref<10240x128xf32, #tpu.memory_space<vmem_shared>> -> memref<10240x128xf32, #tpu.memory_space<vmem_shared>>
    tpu.wait_indirect_dma semaphore(%arg27 : memref<!tpu.dma_semaphore, #tpu.memory_space<semaphore_mem>>) src(%arg14 : memref<128x128xf32, #tpu.memory_space<vmem>>) dst(%dma_wait3A_146 : memref<10240x128xf32, #tpu.memory_space<vmem_shared>>)
    %add3A_147 = arith.constant 10112 : i32
    %add3A_148 = arith.addi %mul3A_4, %add3A_147 : i32
    %dma_start3A_149 = tpu.memref_slice %arg4[%add3A_148] : memref<327680xi32, #tpu.memory_space<hbm>> -> memref<128xi32, #tpu.memory_space<hbm>>
    %dma_start3A_150 = tpu.memref_slice %arg4[%add3A_148] : memref<327680xi32, #tpu.memory_space<hbm>> -> memref<128xi32, #tpu.memory_space<hbm>>
    tpu.enqueue_dma source(%dma_start3A_150 : memref<128xi32, #tpu.memory_space<hbm>>) target(%arg13 : memref<128xi32, #tpu.memory_space<vmem>>) target_semaphore(%arg23 : memref<!tpu.dma_semaphore, #tpu.memory_space<semaphore_mem>>)
    %dma_wait3A_151 = tpu.memref_slice %arg3[%mul3A_4] : memref<327680xi32, #tpu.memory_space<hbm>> -> memref<128xi32, #tpu.memory_space<hbm>>
    %dma_wait3A_152 = tpu.memref_slice %arg3[%mul3A_4] : memref<327680xi32, #tpu.memory_space<hbm>> -> memref<128xi32, #tpu.memory_space<hbm>>
    tpu.wait_dma2 semaphore(%arg17 : memref<!tpu.dma_semaphore, #tpu.memory_space<semaphore_mem>>) src(%dma_wait3A_152 : memref<128xi32, #tpu.memory_space<hbm>>) dst(%arg7 : memref<128xi32, #tpu.memory_space<vmem>>)
    %dma_start3A_153 = arith.constant 0 : i32
    %dma_start3A_154 = arith.constant 0 : i32
    %dma_start3A_155 = tpu.memref_slice %arg2[%dma_start3A_153, %dma_start3A_154] : memref<10240x128xf32, #tpu.memory_space<hbm>> -> memref<10240x128xf32, #tpu.memory_space<hbm>>
    tpu.enqueue_indirect_dma source(%dma_start3A_155 : memref<10240x128xf32, #tpu.memory_space<hbm>>) target(%arg15 : memref<128x128xf32, #tpu.memory_space<vmem>>) offsets(%arg7 : memref<128xi32, #tpu.memory_space<vmem>>) semaphore(%arg25 : memref<!tpu.dma_semaphore, #tpu.memory_space<semaphore_mem>>)
    %dma_wait3A_156 = arith.constant 0 : i32
    %dma_wait3A_157 = arith.constant 0 : i32
    %dma_wait3A_158 = tpu.memref_slice %arg2[%dma_wait3A_156, %dma_wait3A_157] : memref<10240x128xf32, #tpu.memory_space<hbm>> -> memref<10240x128xf32, #tpu.memory_space<hbm>>
    tpu.wait_indirect_dma semaphore(%arg24 : memref<!tpu.dma_semaphore, #tpu.memory_space<semaphore_mem>>) src(%dma_wait3A_158 : memref<10240x128xf32, #tpu.memory_space<hbm>>) dst(%arg14 : memref<128x128xf32, #tpu.memory_space<vmem>>)
    %dma_wait3A_159 = tpu.memref_slice %arg4[%mul3A_4] : memref<327680xi32, #tpu.memory_space<hbm>> -> memref<128xi32, #tpu.memory_space<hbm>>
    %dma_wait3A_160 = tpu.memref_slice %arg4[%mul3A_4] : memref<327680xi32, #tpu.memory_space<hbm>> -> memref<128xi32, #tpu.memory_space<hbm>>
    tpu.wait_dma2 semaphore(%arg20 : memref<!tpu.dma_semaphore, #tpu.memory_space<semaphore_mem>>) src(%dma_wait3A_160 : memref<128xi32, #tpu.memory_space<hbm>>) dst(%arg10 : memref<128xi32, #tpu.memory_space<vmem>>)
    %dma_start3A_161 = arith.constant 0 : i32
    %dma_start3A_162 = arith.constant 0 : i32
    %dma_start3A_163 = tpu.memref_slice %arg28[%dma_start3A_161, %dma_start3A_162] : memref<10240x128xf32, #tpu.memory_space<vmem_shared>> -> memref<10240x128xf32, #tpu.memory_space<vmem_shared>>
    tpu.enqueue_indirect_dma source(%arg14 : memref<128x128xf32, #tpu.memory_space<vmem>>) target(%dma_start3A_163 : memref<10240x128xf32, #tpu.memory_space<vmem_shared>>) offsets(%arg10 : memref<128xi32, #tpu.memory_space<vmem>>) semaphore(%arg26 : memref<!tpu.dma_semaphore, #tpu.memory_space<semaphore_mem>>) {add = true}
    %dma_wait3A_164 = arith.constant 0 : i32
    %dma_wait3A_165 = arith.constant 0 : i32
    %dma_wait3A_166 = tpu.memref_slice %arg28[%dma_wait3A_164, %dma_wait3A_165] : memref<10240x128xf32, #tpu.memory_space<vmem_shared>> -> memref<10240x128xf32, #tpu.memory_space<vmem_shared>>
    tpu.wait_indirect_dma semaphore(%arg26 : memref<!tpu.dma_semaphore, #tpu.memory_space<semaphore_mem>>) src(%arg14 : memref<128x128xf32, #tpu.memory_space<vmem>>) dst(%dma_wait3A_166 : memref<10240x128xf32, #tpu.memory_space<vmem_shared>>)
    %dma_wait3A_167 = tpu.memref_slice %arg3[%mul3A_4] : memref<327680xi32, #tpu.memory_space<hbm>> -> memref<128xi32, #tpu.memory_space<hbm>>
    %dma_wait3A_168 = tpu.memref_slice %arg3[%mul3A_4] : memref<327680xi32, #tpu.memory_space<hbm>> -> memref<128xi32, #tpu.memory_space<hbm>>
    tpu.wait_dma2 semaphore(%arg18 : memref<!tpu.dma_semaphore, #tpu.memory_space<semaphore_mem>>) src(%dma_wait3A_168 : memref<128xi32, #tpu.memory_space<hbm>>) dst(%arg8 : memref<128xi32, #tpu.memory_space<vmem>>)
    %dma_start3A_169 = arith.constant 0 : i32
    %dma_start3A_170 = arith.constant 0 : i32
    %dma_start3A_171 = tpu.memref_slice %arg2[%dma_start3A_169, %dma_start3A_170] : memref<10240x128xf32, #tpu.memory_space<hbm>> -> memref<10240x128xf32, #tpu.memory_space<hbm>>
    tpu.enqueue_indirect_dma source(%dma_start3A_171 : memref<10240x128xf32, #tpu.memory_space<hbm>>) target(%arg14 : memref<128x128xf32, #tpu.memory_space<vmem>>) offsets(%arg8 : memref<128xi32, #tpu.memory_space<vmem>>) semaphore(%arg24 : memref<!tpu.dma_semaphore, #tpu.memory_space<semaphore_mem>>)
    %dma_wait3A_172 = arith.constant 0 : i32
    %dma_wait3A_173 = arith.constant 0 : i32
    %dma_wait3A_174 = tpu.memref_slice %arg2[%dma_wait3A_172, %dma_wait3A_173] : memref<10240x128xf32, #tpu.memory_space<hbm>> -> memref<10240x128xf32, #tpu.memory_space<hbm>>
    tpu.wait_indirect_dma semaphore(%arg25 : memref<!tpu.dma_semaphore, #tpu.memory_space<semaphore_mem>>) src(%dma_wait3A_174 : memref<10240x128xf32, #tpu.memory_space<hbm>>) dst(%arg15 : memref<128x128xf32, #tpu.memory_space<vmem>>)
    %dma_wait3A_175 = tpu.memref_slice %arg4[%mul3A_4] : memref<327680xi32, #tpu.memory_space<hbm>> -> memref<128xi32, #tpu.memory_space<hbm>>
    %dma_wait3A_176 = tpu.memref_slice %arg4[%mul3A_4] : memref<327680xi32, #tpu.memory_space<hbm>> -> memref<128xi32, #tpu.memory_space<hbm>>
    tpu.wait_dma2 semaphore(%arg21 : memref<!tpu.dma_semaphore, #tpu.memory_space<semaphore_mem>>) src(%dma_wait3A_176 : memref<128xi32, #tpu.memory_space<hbm>>) dst(%arg11 : memref<128xi32, #tpu.memory_space<vmem>>)
    %dma_start3A_177 = arith.constant 0 : i32
    %dma_start3A_178 = arith.constant 0 : i32
    %dma_start3A_179 = tpu.memref_slice %arg28[%dma_start3A_177, %dma_start3A_178] : memref<10240x128xf32, #tpu.memory_space<vmem_shared>> -> memref<10240x128xf32, #tpu.memory_space<vmem_shared>>
    tpu.enqueue_indirect_dma source(%arg15 : memref<128x128xf32, #tpu.memory_space<vmem>>) target(%dma_start3A_179 : memref<10240x128xf32, #tpu.memory_space<vmem_shared>>) offsets(%arg11 : memref<128xi32, #tpu.memory_space<vmem>>) semaphore(%arg27 : memref<!tpu.dma_semaphore, #tpu.memory_space<semaphore_mem>>) {add = true}
    %dma_wait3A_180 = arith.constant 0 : i32
    %dma_wait3A_181 = arith.constant 0 : i32
    %dma_wait3A_182 = tpu.memref_slice %arg28[%dma_wait3A_180, %dma_wait3A_181] : memref<10240x128xf32, #tpu.memory_space<vmem_shared>> -> memref<10240x128xf32, #tpu.memory_space<vmem_shared>>
    tpu.wait_indirect_dma semaphore(%arg27 : memref<!tpu.dma_semaphore, #tpu.memory_space<semaphore_mem>>) src(%arg14 : memref<128x128xf32, #tpu.memory_space<vmem>>) dst(%dma_wait3A_182 : memref<10240x128xf32, #tpu.memory_space<vmem_shared>>)
    %dma_wait3A_183 = tpu.memref_slice %arg3[%mul3A_4] : memref<327680xi32, #tpu.memory_space<hbm>> -> memref<128xi32, #tpu.memory_space<hbm>>
    %dma_wait3A_184 = tpu.memref_slice %arg3[%mul3A_4] : memref<327680xi32, #tpu.memory_space<hbm>> -> memref<128xi32, #tpu.memory_space<hbm>>
    tpu.wait_dma2 semaphore(%arg19 : memref<!tpu.dma_semaphore, #tpu.memory_space<semaphore_mem>>) src(%dma_wait3A_184 : memref<128xi32, #tpu.memory_space<hbm>>) dst(%arg9 : memref<128xi32, #tpu.memory_space<vmem>>)
    %dma_start3A_185 = arith.constant 0 : i32
    %dma_start3A_186 = arith.constant 0 : i32
    %dma_start3A_187 = tpu.memref_slice %arg2[%dma_start3A_185, %dma_start3A_186] : memref<10240x128xf32, #tpu.memory_space<hbm>> -> memref<10240x128xf32, #tpu.memory_space<hbm>>
    tpu.enqueue_indirect_dma source(%dma_start3A_187 : memref<10240x128xf32, #tpu.memory_space<hbm>>) target(%arg15 : memref<128x128xf32, #tpu.memory_space<vmem>>) offsets(%arg9 : memref<128xi32, #tpu.memory_space<vmem>>) semaphore(%arg25 : memref<!tpu.dma_semaphore, #tpu.memory_space<semaphore_mem>>)
    %dma_wait3A_188 = arith.constant 0 : i32
    %dma_wait3A_189 = arith.constant 0 : i32
    %dma_wait3A_190 = tpu.memref_slice %arg2[%dma_wait3A_188, %dma_wait3A_189] : memref<10240x128xf32, #tpu.memory_space<hbm>> -> memref<10240x128xf32, #tpu.memory_space<hbm>>
    tpu.wait_indirect_dma semaphore(%arg24 : memref<!tpu.dma_semaphore, #tpu.memory_space<semaphore_mem>>) src(%dma_wait3A_190 : memref<10240x128xf32, #tpu.memory_space<hbm>>) dst(%arg14 : memref<128x128xf32, #tpu.memory_space<vmem>>)
    %dma_wait3A_191 = tpu.memref_slice %arg4[%mul3A_4] : memref<327680xi32, #tpu.memory_space<hbm>> -> memref<128xi32, #tpu.memory_space<hbm>>
    %dma_wait3A_192 = tpu.memref_slice %arg4[%mul3A_4] : memref<327680xi32, #tpu.memory_space<hbm>> -> memref<128xi32, #tpu.memory_space<hbm>>
    tpu.wait_dma2 semaphore(%arg22 : memref<!tpu.dma_semaphore, #tpu.memory_space<semaphore_mem>>) src(%dma_wait3A_192 : memref<128xi32, #tpu.memory_space<hbm>>) dst(%arg12 : memref<128xi32, #tpu.memory_space<vmem>>)
    %dma_start3A_193 = arith.constant 0 : i32
    %dma_start3A_194 = arith.constant 0 : i32
    %dma_start3A_195 = tpu.memref_slice %arg28[%dma_start3A_193, %dma_start3A_194] : memref<10240x128xf32, #tpu.memory_space<vmem_shared>> -> memref<10240x128xf32, #tpu.memory_space<vmem_shared>>
    tpu.enqueue_indirect_dma source(%arg14 : memref<128x128xf32, #tpu.memory_space<vmem>>) target(%dma_start3A_195 : memref<10240x128xf32, #tpu.memory_space<vmem_shared>>) offsets(%arg12 : memref<128xi32, #tpu.memory_space<vmem>>) semaphore(%arg26 : memref<!tpu.dma_semaphore, #tpu.memory_space<semaphore_mem>>) {add = true}
    %dma_wait3A_196 = arith.constant 0 : i32
    %dma_wait3A_197 = arith.constant 0 : i32
    %dma_wait3A_198 = tpu.memref_slice %arg2[%dma_wait3A_196, %dma_wait3A_197] : memref<10240x128xf32, #tpu.memory_space<hbm>> -> memref<10240x128xf32, #tpu.memory_space<hbm>>
    tpu.wait_indirect_dma semaphore(%arg25 : memref<!tpu.dma_semaphore, #tpu.memory_space<semaphore_mem>>) src(%dma_wait3A_198 : memref<10240x128xf32, #tpu.memory_space<hbm>>) dst(%arg15 : memref<128x128xf32, #tpu.memory_space<vmem>>)
    %dma_wait3A_199 = tpu.memref_slice %arg4[%mul3A_4] : memref<327680xi32, #tpu.memory_space<hbm>> -> memref<128xi32, #tpu.memory_space<hbm>>
    %dma_wait3A_200 = tpu.memref_slice %arg4[%mul3A_4] : memref<327680xi32, #tpu.memory_space<hbm>> -> memref<128xi32, #tpu.memory_space<hbm>>
    tpu.wait_dma2 semaphore(%arg23 : memref<!tpu.dma_semaphore, #tpu.memory_space<semaphore_mem>>) src(%dma_wait3A_200 : memref<128xi32, #tpu.memory_space<hbm>>) dst(%arg13 : memref<128xi32, #tpu.memory_space<vmem>>)
    %dma_start3A_201 = arith.constant 0 : i32
    %dma_start3A_202 = arith.constant 0 : i32
    %dma_start3A_203 = tpu.memref_slice %arg28[%dma_start3A_201, %dma_start3A_202] : memref<10240x128xf32, #tpu.memory_space<vmem_shared>> -> memref<10240x128xf32, #tpu.memory_space<vmem_shared>>
    tpu.enqueue_indirect_dma source(%arg15 : memref<128x128xf32, #tpu.memory_space<vmem>>) target(%dma_start3A_203 : memref<10240x128xf32, #tpu.memory_space<vmem_shared>>) offsets(%arg13 : memref<128xi32, #tpu.memory_space<vmem>>) semaphore(%arg27 : memref<!tpu.dma_semaphore, #tpu.memory_space<semaphore_mem>>) {add = true}
    %dma_wait3A_204 = arith.constant 0 : i32
    %dma_wait3A_205 = arith.constant 0 : i32
    %dma_wait3A_206 = tpu.memref_slice %arg28[%dma_wait3A_204, %dma_wait3A_205] : memref<10240x128xf32, #tpu.memory_space<vmem_shared>> -> memref<10240x128xf32, #tpu.memory_space<vmem_shared>>
    tpu.wait_indirect_dma semaphore(%arg26 : memref<!tpu.dma_semaphore, #tpu.memory_space<semaphore_mem>>) src(%arg14 : memref<128x128xf32, #tpu.memory_space<vmem>>) dst(%dma_wait3A_206 : memref<10240x128xf32, #tpu.memory_space<vmem_shared>>)
    %dma_wait3A_207 = arith.constant 0 : i32
    %dma_wait3A_208 = arith.constant 0 : i32
    %dma_wait3A_209 = tpu.memref_slice %arg28[%dma_wait3A_207, %dma_wait3A_208] : memref<10240x128xf32, #tpu.memory_space<vmem_shared>> -> memref<10240x128xf32, #tpu.memory_space<vmem_shared>>
    tpu.wait_indirect_dma semaphore(%arg27 : memref<!tpu.dma_semaphore, #tpu.memory_space<semaphore_mem>>) src(%arg14 : memref<128x128xf32, #tpu.memory_space<vmem>>) dst(%dma_wait3A_209 : memref<10240x128xf32, #tpu.memory_space<vmem_shared>>)
    %barrier3A_210 = arith.constant 0 : index
    tpu.barrier barrier_id(%barrier3A_210)
    %mul3A_211 = arith.constant 640 : i32
    %mul3A_212 = arith.muli %arg1, %mul3A_211 : i32
    %mul3A_213 = arith.constant 10240 : i32
    %mul3A_214 = arith.muli %arg0, %mul3A_213 : i32
    %mul3A_215 = arith.constant 640 : i32
    %mul3A_216 = arith.muli %arg1, %mul3A_215 : i32
    %add3A_217 = arith.addi %mul3A_214, %mul3A_216 : i32
    "tpu.region"() ({
      %run_scoped3A = tpu.sem_alloc : memref<!tpu.dma_semaphore, #tpu.memory_space<semaphore_mem>>
      %dma_start3A_218 = arith.constant 0 : i32
      %dma_start3A_219 = tpu.memref_slice %arg5[%add3A_217, %dma_start3A_218] : memref<20480x128xf32, #tpu.memory_space<hbm>> -> memref<640x128xf32, #tpu.memory_space<hbm>>
      %dma_start3A_220 = arith.constant 0 : i32
      %dma_start3A_221 = tpu.memref_slice %arg28[%mul3A_212, %dma_start3A_220] : memref<10240x128xf32, #tpu.memory_space<vmem_shared>> -> memref<640x128xf32, #tpu.memory_space<vmem_shared>>
      tpu.enqueue_dma source(%dma_start3A_221 : memref<640x128xf32, #tpu.memory_space<vmem_shared>>) target(%dma_start3A_219 : memref<640x128xf32, #tpu.memory_space<hbm>>) target_semaphore(%run_scoped3A : memref<!tpu.dma_semaphore, #tpu.memory_space<semaphore_mem>>)
      %dma_wait3A_222 = arith.constant 0 : i32
      %dma_wait3A_223 = tpu.memref_slice %arg5[%add3A_217, %dma_wait3A_222] : memref<20480x128xf32, #tpu.memory_space<hbm>> -> memref<640x128xf32, #tpu.memory_space<hbm>>
      %dma_wait3A_224 = arith.constant 0 : i32
      %dma_wait3A_225 = tpu.memref_slice %arg28[%mul3A_212, %dma_wait3A_224] : memref<10240x128xf32, #tpu.memory_space<vmem_shared>> -> memref<640x128xf32, #tpu.memory_space<vmem_shared>>
      tpu.wait_dma2 semaphore(%run_scoped3A : memref<!tpu.dma_semaphore, #tpu.memory_space<semaphore_mem>>) src(%dma_wait3A_225 : memref<640x128xf32, #tpu.memory_space<vmem_shared>>) dst(%dma_wait3A_223 : memref<640x128xf32, #tpu.memory_space<hbm>>)
      tpu.yield
    }) : () -> ()
    return
  }
}

#map = affine_map<(d0, d1) -> (0)>
#map1 = affine_map<(d0, d1) -> (0, 0)>
module attributes {stable_mosaic.version = 14 : i64} {
  func.func @k(%arg0: i32, %arg1: i32, %arg2: memref<327680xi32, #tpu.memory_space<hbm>>, %arg3: memref<20480x128xf32, #tpu.memory_space<hbm>>, %arg4: memref<128xi32, #tpu.memory_space<vmem>>, %arg5: memref<128xi32, #tpu.memory_space<vmem>>, %arg6: memref<128xi32, #tpu.memory_space<vmem>>, %arg7: memref<128xi32, #tpu.memory_space<vmem>>, %arg8: memref<128x128xf32, #tpu.memory_space<vmem>>, %arg9: memref<128x128xf32, #tpu.memory_space<vmem>>, %arg10: memref<!tpu.dma_semaphore, #tpu.memory_space<semaphore_mem>>, %arg11: memref<!tpu.dma_semaphore, #tpu.memory_space<semaphore_mem>>, %arg12: memref<!tpu.dma_semaphore, #tpu.memory_space<semaphore_mem>>, %arg13: memref<!tpu.dma_semaphore, #tpu.memory_space<semaphore_mem>>, %arg14: memref<!tpu.dma_semaphore, #tpu.memory_space<semaphore_mem>>, %arg15: memref<!tpu.dma_semaphore, #tpu.memory_space<semaphore_mem>>, %arg16: memref<!tpu.dma_semaphore, #tpu.memory_space<semaphore_mem>>, %arg17: memref<!tpu.dma_semaphore, #tpu.memory_space<semaphore_mem>>, %arg18: memref<10240x128xf32, #tpu.memory_space<vmem_shared>>) attributes {dimension_semantics = [#tpu.dimension_semantics<core_parallel>, #tpu.dimension_semantics<subcore_parallel>], iteration_bounds = array<i64: 2, 16>, scalar_prefetch = 0 : i64, scratch_operands = 15 : i64, tpu.core_type = #tpu.core_type<sc_vector_subcore>, window_params = [{transform_indices = #map}, {transform_indices = #map1}]} {
    %mul3A = arith.constant 16 : i32
    %mul3A_0 = arith.muli %arg0, %mul3A : i32
    %add3A = arith.addi %mul3A_0, %arg1 : i32
    %mul3A_1 = arith.constant 80 : i32
    %mul3A_2 = arith.muli %add3A, %mul3A_1 : i32
    %mul3A_3 = arith.constant 128 : i32
    %mul3A_4 = arith.muli %mul3A_2, %mul3A_3 : i32
    %broadcast_in_dim3A = arith.constant 1.000000e+00 : f32
    %broadcast_in_dim3A_5 = vector.broadcast %broadcast_in_dim3A : f32 to vector<16xf32>
    %broadcast_in_dim3A_6 = arith.constant 0.000000e+00 : f32
    %broadcast_in_dim3A_7 = vector.broadcast %broadcast_in_dim3A_6 : f32 to vector<16xf32>
    %scan3A = arith.constant 0 : i32
    %scan3A_8 = arith.constant 128 : i32
    %scan3A_9 = arith.addi %scan3A, %scan3A_8 : i32
    %scan3A_10 = arith.constant 1 : i32
    scf.for %scan3A_124 = %scan3A to %scan3A_9 step %scan3A_10  : i32 {
      %mul3A_125 = arith.constant 1 : i32
      %mul3A_126 = arith.muli %scan3A_124, %mul3A_125 : i32
      %add3A_127 = arith.constant 0 : i32
      %add3A_128 = arith.addi %add3A_127, %mul3A_126 : i32
      %swap3A = arith.index_cast %add3A_128 : i32 to index
      %swap3A_129 = arith.constant 0 : index
      %swap3A_130 = tpu.vector_load %arg8[%swap3A, %swap3A_129] {strides = array<i32>} : memref<128x128xf32, #tpu.memory_space<vmem>>, vector<1x16xf32>,
      %swap3A_131 = vector.shape_cast %swap3A_130 : vector<1x16xf32> to vector<16xf32>
      %swap3A_132 = vector.shape_cast %broadcast_in_dim3A_5 : vector<16xf32> to vector<1x16xf32>
      tpu.vector_store %arg8[%swap3A, %swap3A_129], %swap3A_132 {strides = array<i32>} : memref<128x128xf32, #tpu.memory_space<vmem>>, vector<1x16xf32>,
      %swap3A_133 = arith.index_cast %add3A_128 : i32 to index
      %swap3A_134 = arith.constant 0 : index
      %swap3A_135 = tpu.vector_load %arg9[%swap3A_133, %swap3A_134] {strides = array<i32>} : memref<128x128xf32, #tpu.memory_space<vmem>>, vector<1x16xf32>,
      %swap3A_136 = vector.shape_cast %swap3A_135 : vector<1x16xf32> to vector<16xf32>
      %swap3A_137 = vector.shape_cast %broadcast_in_dim3A_7 : vector<16xf32> to vector<1x16xf32>
      tpu.vector_store %arg9[%swap3A_133, %swap3A_134], %swap3A_137 {strides = array<i32>} : memref<128x128xf32, #tpu.memory_space<vmem>>, vector<1x16xf32>,
      %swap3A_138 = arith.index_cast %add3A_128 : i32 to index
      %swap3A_139 = arith.constant 16 : index
      %swap3A_140 = tpu.vector_load %arg8[%swap3A_138, %swap3A_139] {strides = array<i32>} : memref<128x128xf32, #tpu.memory_space<vmem>>, vector<1x16xf32>,
      %swap3A_141 = vector.shape_cast %swap3A_140 : vector<1x16xf32> to vector<16xf32>
      %swap3A_142 = vector.shape_cast %broadcast_in_dim3A_5 : vector<16xf32> to vector<1x16xf32>
      tpu.vector_store %arg8[%swap3A_138, %swap3A_139], %swap3A_142 {strides = array<i32>} : memref<128x128xf32, #tpu.memory_space<vmem>>, vector<1x16xf32>,
      %swap3A_143 = arith.index_cast %add3A_128 : i32 to index
      %swap3A_144 = arith.constant 16 : index
      %swap3A_145 = tpu.vector_load %arg9[%swap3A_143, %swap3A_144] {strides = array<i32>} : memref<128x128xf32, #tpu.memory_space<vmem>>, vector<1x16xf32>,
      %swap3A_146 = vector.shape_cast %swap3A_145 : vector<1x16xf32> to vector<16xf32>
      %swap3A_147 = vector.shape_cast %broadcast_in_dim3A_7 : vector<16xf32> to vector<1x16xf32>
      tpu.vector_store %arg9[%swap3A_143, %swap3A_144], %swap3A_147 {strides = array<i32>} : memref<128x128xf32, #tpu.memory_space<vmem>>, vector<1x16xf32>,
      %swap3A_148 = arith.index_cast %add3A_128 : i32 to index
      %swap3A_149 = arith.constant 32 : index
      %swap3A_150 = tpu.vector_load %arg8[%swap3A_148, %swap3A_149] {strides = array<i32>} : memref<128x128xf32, #tpu.memory_space<vmem>>, vector<1x16xf32>,
      %swap3A_151 = vector.shape_cast %swap3A_150 : vector<1x16xf32> to vector<16xf32>
      %swap3A_152 = vector.shape_cast %broadcast_in_dim3A_5 : vector<16xf32> to vector<1x16xf32>
      tpu.vector_store %arg8[%swap3A_148, %swap3A_149], %swap3A_152 {strides = array<i32>} : memref<128x128xf32, #tpu.memory_space<vmem>>, vector<1x16xf32>,
      %swap3A_153 = arith.index_cast %add3A_128 : i32 to index
      %swap3A_154 = arith.constant 32 : index
      %swap3A_155 = tpu.vector_load %arg9[%swap3A_153, %swap3A_154] {strides = array<i32>} : memref<128x128xf32, #tpu.memory_space<vmem>>, vector<1x16xf32>,
      %swap3A_156 = vector.shape_cast %swap3A_155 : vector<1x16xf32> to vector<16xf32>
      %swap3A_157 = vector.shape_cast %broadcast_in_dim3A_7 : vector<16xf32> to vector<1x16xf32>
      tpu.vector_store %arg9[%swap3A_153, %swap3A_154], %swap3A_157 {strides = array<i32>} : memref<128x128xf32, #tpu.memory_space<vmem>>, vector<1x16xf32>,
      %swap3A_158 = arith.index_cast %add3A_128 : i32 to index
      %swap3A_159 = arith.constant 48 : index
      %swap3A_160 = tpu.vector_load %arg8[%swap3A_158, %swap3A_159] {strides = array<i32>} : memref<128x128xf32, #tpu.memory_space<vmem>>, vector<1x16xf32>,
      %swap3A_161 = vector.shape_cast %swap3A_160 : vector<1x16xf32> to vector<16xf32>
      %swap3A_162 = vector.shape_cast %broadcast_in_dim3A_5 : vector<16xf32> to vector<1x16xf32>
      tpu.vector_store %arg8[%swap3A_158, %swap3A_159], %swap3A_162 {strides = array<i32>} : memref<128x128xf32, #tpu.memory_space<vmem>>, vector<1x16xf32>,
      %swap3A_163 = arith.index_cast %add3A_128 : i32 to index
      %swap3A_164 = arith.constant 48 : index
      %swap3A_165 = tpu.vector_load %arg9[%swap3A_163, %swap3A_164] {strides = array<i32>} : memref<128x128xf32, #tpu.memory_space<vmem>>, vector<1x16xf32>,
      %swap3A_166 = vector.shape_cast %swap3A_165 : vector<1x16xf32> to vector<16xf32>
      %swap3A_167 = vector.shape_cast %broadcast_in_dim3A_7 : vector<16xf32> to vector<1x16xf32>
      tpu.vector_store %arg9[%swap3A_163, %swap3A_164], %swap3A_167 {strides = array<i32>} : memref<128x128xf32, #tpu.memory_space<vmem>>, vector<1x16xf32>,
      %swap3A_168 = arith.index_cast %add3A_128 : i32 to index
      %swap3A_169 = arith.constant 64 : index
      %swap3A_170 = tpu.vector_load %arg8[%swap3A_168, %swap3A_169] {strides = array<i32>} : memref<128x128xf32, #tpu.memory_space<vmem>>, vector<1x16xf32>,
      %swap3A_171 = vector.shape_cast %swap3A_170 : vector<1x16xf32> to vector<16xf32>
      %swap3A_172 = vector.shape_cast %broadcast_in_dim3A_5 : vector<16xf32> to vector<1x16xf32>
      tpu.vector_store %arg8[%swap3A_168, %swap3A_169], %swap3A_172 {strides = array<i32>} : memref<128x128xf32, #tpu.memory_space<vmem>>, vector<1x16xf32>,
      %swap3A_173 = arith.index_cast %add3A_128 : i32 to index
      %swap3A_174 = arith.constant 64 : index
      %swap3A_175 = tpu.vector_load %arg9[%swap3A_173, %swap3A_174] {strides = array<i32>} : memref<128x128xf32, #tpu.memory_space<vmem>>, vector<1x16xf32>,
      %swap3A_176 = vector.shape_cast %swap3A_175 : vector<1x16xf32> to vector<16xf32>
      %swap3A_177 = vector.shape_cast %broadcast_in_dim3A_7 : vector<16xf32> to vector<1x16xf32>
      tpu.vector_store %arg9[%swap3A_173, %swap3A_174], %swap3A_177 {strides = array<i32>} : memref<128x128xf32, #tpu.memory_space<vmem>>, vector<1x16xf32>,
      %swap3A_178 = arith.index_cast %add3A_128 : i32 to index
      %swap3A_179 = arith.constant 80 : index
      %swap3A_180 = tpu.vector_load %arg8[%swap3A_178, %swap3A_179] {strides = array<i32>} : memref<128x128xf32, #tpu.memory_space<vmem>>, vector<1x16xf32>,
      %swap3A_181 = vector.shape_cast %swap3A_180 : vector<1x16xf32> to vector<16xf32>
      %swap3A_182 = vector.shape_cast %broadcast_in_dim3A_5 : vector<16xf32> to vector<1x16xf32>
      tpu.vector_store %arg8[%swap3A_178, %swap3A_179], %swap3A_182 {strides = array<i32>} : memref<128x128xf32, #tpu.memory_space<vmem>>, vector<1x16xf32>,
      %swap3A_183 = arith.index_cast %add3A_128 : i32 to index
      %swap3A_184 = arith.constant 80 : index
      %swap3A_185 = tpu.vector_load %arg9[%swap3A_183, %swap3A_184] {strides = array<i32>} : memref<128x128xf32, #tpu.memory_space<vmem>>, vector<1x16xf32>,
      %swap3A_186 = vector.shape_cast %swap3A_185 : vector<1x16xf32> to vector<16xf32>
      %swap3A_187 = vector.shape_cast %broadcast_in_dim3A_7 : vector<16xf32> to vector<1x16xf32>
      tpu.vector_store %arg9[%swap3A_183, %swap3A_184], %swap3A_187 {strides = array<i32>} : memref<128x128xf32, #tpu.memory_space<vmem>>, vector<1x16xf32>,
      %swap3A_188 = arith.index_cast %add3A_128 : i32 to index
      %swap3A_189 = arith.constant 96 : index
      %swap3A_190 = tpu.vector_load %arg8[%swap3A_188, %swap3A_189] {strides = array<i32>} : memref<128x128xf32, #tpu.memory_space<vmem>>, vector<1x16xf32>,
      %swap3A_191 = vector.shape_cast %swap3A_190 : vector<1x16xf32> to vector<16xf32>
      %swap3A_192 = vector.shape_cast %broadcast_in_dim3A_5 : vector<16xf32> to vector<1x16xf32>
      tpu.vector_store %arg8[%swap3A_188, %swap3A_189], %swap3A_192 {strides = array<i32>} : memref<128x128xf32, #tpu.memory_space<vmem>>, vector<1x16xf32>,
      %swap3A_193 = arith.index_cast %add3A_128 : i32 to index
      %swap3A_194 = arith.constant 96 : index
      %swap3A_195 = tpu.vector_load %arg9[%swap3A_193, %swap3A_194] {strides = array<i32>} : memref<128x128xf32, #tpu.memory_space<vmem>>, vector<1x16xf32>,
      %swap3A_196 = vector.shape_cast %swap3A_195 : vector<1x16xf32> to vector<16xf32>
      %swap3A_197 = vector.shape_cast %broadcast_in_dim3A_7 : vector<16xf32> to vector<1x16xf32>
      tpu.vector_store %arg9[%swap3A_193, %swap3A_194], %swap3A_197 {strides = array<i32>} : memref<128x128xf32, #tpu.memory_space<vmem>>, vector<1x16xf32>,
      %swap3A_198 = arith.index_cast %add3A_128 : i32 to index
      %swap3A_199 = arith.constant 112 : index
      %swap3A_200 = tpu.vector_load %arg8[%swap3A_198, %swap3A_199] {strides = array<i32>} : memref<128x128xf32, #tpu.memory_space<vmem>>, vector<1x16xf32>,
      %swap3A_201 = vector.shape_cast %swap3A_200 : vector<1x16xf32> to vector<16xf32>
      %swap3A_202 = vector.shape_cast %broadcast_in_dim3A_5 : vector<16xf32> to vector<1x16xf32>
      tpu.vector_store %arg8[%swap3A_198, %swap3A_199], %swap3A_202 {strides = array<i32>} : memref<128x128xf32, #tpu.memory_space<vmem>>, vector<1x16xf32>,
      %swap3A_203 = arith.index_cast %add3A_128 : i32 to index
      %swap3A_204 = arith.constant 112 : index
      %swap3A_205 = tpu.vector_load %arg9[%swap3A_203, %swap3A_204] {strides = array<i32>} : memref<128x128xf32, #tpu.memory_space<vmem>>, vector<1x16xf32>,
      %swap3A_206 = vector.shape_cast %swap3A_205 : vector<1x16xf32> to vector<16xf32>
      %swap3A_207 = vector.shape_cast %broadcast_in_dim3A_7 : vector<16xf32> to vector<1x16xf32>
      tpu.vector_store %arg9[%swap3A_203, %swap3A_204], %swap3A_207 {strides = array<i32>} : memref<128x128xf32, #tpu.memory_space<vmem>>, vector<1x16xf32>,
    }
    %scan3A_11 = arith.constant 128 : i32
    %scan3A_12 = arith.constant 0 : i32
    %scan3A_13 = arith.constant 5 : i32
    %scan3A_14 = arith.addi %scan3A_12, %scan3A_13 : i32
    %scan3A_15 = arith.constant 1 : i32
    scf.for %scan3A_124 = %scan3A_12 to %scan3A_14 step %scan3A_15  : i32 {
      %mul3A_125 = arith.constant 1 : i32
      %mul3A_126 = arith.muli %scan3A_124, %mul3A_125 : i32
      %add3A_127 = arith.constant 0 : i32
      %add3A_128 = arith.addi %add3A_127, %mul3A_126 : i32
      %mul3A_129 = arith.constant 640 : i32
      %mul3A_130 = arith.muli %arg1, %mul3A_129 : i32
      %mul3A_131 = arith.constant 128 : i32
      %mul3A_132 = arith.muli %add3A_128, %mul3A_131 : i32
      %add3A_133 = arith.addi %mul3A_130, %mul3A_132 : i32
      "tpu.region"() ({
        %run_scoped3A = tpu.sem_alloc : memref<!tpu.dma_semaphore, #tpu.memory_space<semaphore_mem>>
        %dma_start3A_134 = arith.constant 0 : i32
        %dma_start3A_135 = tpu.memref_slice %arg18[%add3A_133, %dma_start3A_134] : memref<10240x128xf32, #tpu.memory_space<vmem_shared>> -> memref<128x128xf32, #tpu.memory_space<vmem_shared>>
        %dma_start3A_136 = arith.constant 0 : i32
        %dma_start3A_137 = tpu.memref_slice %arg18[%add3A_133, %dma_start3A_136] : memref<10240x128xf32, #tpu.memory_space<vmem_shared>> -> memref<128x128xf32, #tpu.memory_space<vmem_shared>>
        tpu.enqueue_dma source(%arg9 : memref<128x128xf32, #tpu.memory_space<vmem>>) target(%dma_start3A_137 : memref<128x128xf32, #tpu.memory_space<vmem_shared>>) target_semaphore(%run_scoped3A : memref<!tpu.dma_semaphore, #tpu.memory_space<semaphore_mem>>)
        %dma_wait3A_138 = arith.constant 0 : i32
        %dma_wait3A_139 = tpu.memref_slice %arg18[%add3A_133, %dma_wait3A_138] : memref<10240x128xf32, #tpu.memory_space<vmem_shared>> -> memref<128x128xf32, #tpu.memory_space<vmem_shared>>
        %dma_wait3A_140 = arith.constant 0 : i32
        %dma_wait3A_141 = tpu.memref_slice %arg18[%add3A_133, %dma_wait3A_140] : memref<10240x128xf32, #tpu.memory_space<vmem_shared>> -> memref<128x128xf32, #tpu.memory_space<vmem_shared>>
        tpu.wait_dma2 semaphore(%run_scoped3A : memref<!tpu.dma_semaphore, #tpu.memory_space<semaphore_mem>>) src(%arg9 : memref<128x128xf32, #tpu.memory_space<vmem>>) dst(%dma_wait3A_141 : memref<128x128xf32, #tpu.memory_space<vmem_shared>>)
        tpu.yield
      }) : () -> ()
    }
    %scan3A_16 = arith.constant 5 : i32
    %barrier3A = arith.constant 0 : index
    tpu.barrier barrier_id(%barrier3A)
    %add3A_17 = arith.constant 0 : i32
    %add3A_18 = arith.addi %mul3A_4, %add3A_17 : i32
    %dma_start3A = tpu.memref_slice %arg2[%add3A_18] : memref<327680xi32, #tpu.memory_space<hbm>> -> memref<128xi32, #tpu.memory_space<hbm>>
    %dma_start3A_19 = tpu.memref_slice %arg2[%add3A_18] : memref<327680xi32, #tpu.memory_space<hbm>> -> memref<128xi32, #tpu.memory_space<hbm>>
    tpu.enqueue_dma source(%dma_start3A_19 : memref<128xi32, #tpu.memory_space<hbm>>) target(%arg4 : memref<128xi32, #tpu.memory_space<vmem>>) target_semaphore(%arg10 : memref<!tpu.dma_semaphore, #tpu.memory_space<semaphore_mem>>)
    %add3A_20 = arith.constant 128 : i32
    %add3A_21 = arith.addi %mul3A_4, %add3A_20 : i32
    %dma_start3A_22 = tpu.memref_slice %arg2[%add3A_21] : memref<327680xi32, #tpu.memory_space<hbm>> -> memref<128xi32, #tpu.memory_space<hbm>>
    %dma_start3A_23 = tpu.memref_slice %arg2[%add3A_21] : memref<327680xi32, #tpu.memory_space<hbm>> -> memref<128xi32, #tpu.memory_space<hbm>>
    tpu.enqueue_dma source(%dma_start3A_23 : memref<128xi32, #tpu.memory_space<hbm>>) target(%arg5 : memref<128xi32, #tpu.memory_space<vmem>>) target_semaphore(%arg11 : memref<!tpu.dma_semaphore, #tpu.memory_space<semaphore_mem>>)
    %add3A_24 = arith.constant 256 : i32
    %add3A_25 = arith.addi %mul3A_4, %add3A_24 : i32
    %dma_start3A_26 = tpu.memref_slice %arg2[%add3A_25] : memref<327680xi32, #tpu.memory_space<hbm>> -> memref<128xi32, #tpu.memory_space<hbm>>
    %dma_start3A_27 = tpu.memref_slice %arg2[%add3A_25] : memref<327680xi32, #tpu.memory_space<hbm>> -> memref<128xi32, #tpu.memory_space<hbm>>
    tpu.enqueue_dma source(%dma_start3A_27 : memref<128xi32, #tpu.memory_space<hbm>>) target(%arg6 : memref<128xi32, #tpu.memory_space<vmem>>) target_semaphore(%arg12 : memref<!tpu.dma_semaphore, #tpu.memory_space<semaphore_mem>>)
    %dma_wait3A = tpu.memref_slice %arg2[%mul3A_4] : memref<327680xi32, #tpu.memory_space<hbm>> -> memref<128xi32, #tpu.memory_space<hbm>>
    %dma_wait3A_28 = tpu.memref_slice %arg2[%mul3A_4] : memref<327680xi32, #tpu.memory_space<hbm>> -> memref<128xi32, #tpu.memory_space<hbm>>
    tpu.wait_dma2 semaphore(%arg10 : memref<!tpu.dma_semaphore, #tpu.memory_space<semaphore_mem>>) src(%dma_wait3A_28 : memref<128xi32, #tpu.memory_space<hbm>>) dst(%arg4 : memref<128xi32, #tpu.memory_space<vmem>>)
    %dma_start3A_29 = arith.constant 0 : i32
    %dma_start3A_30 = arith.constant 0 : i32
    %dma_start3A_31 = tpu.memref_slice %arg18[%dma_start3A_29, %dma_start3A_30] : memref<10240x128xf32, #tpu.memory_space<vmem_shared>> -> memref<10240x128xf32, #tpu.memory_space<vmem_shared>>
    tpu.enqueue_indirect_dma source(%arg8 : memref<128x128xf32, #tpu.memory_space<vmem>>) target(%dma_start3A_31 : memref<10240x128xf32, #tpu.memory_space<vmem_shared>>) offsets(%arg4 : memref<128xi32, #tpu.memory_space<vmem>>) semaphore(%arg14 : memref<!tpu.dma_semaphore, #tpu.memory_space<semaphore_mem>>) {add = true}
    %add3A_32 = arith.constant 384 : i32
    %add3A_33 = arith.addi %mul3A_4, %add3A_32 : i32
    %dma_start3A_34 = tpu.memref_slice %arg2[%add3A_33] : memref<327680xi32, #tpu.memory_space<hbm>> -> memref<128xi32, #tpu.memory_space<hbm>>
    %dma_start3A_35 = tpu.memref_slice %arg2[%add3A_33] : memref<327680xi32, #tpu.memory_space<hbm>> -> memref<128xi32, #tpu.memory_space<hbm>>
    tpu.enqueue_dma source(%dma_start3A_35 : memref<128xi32, #tpu.memory_space<hbm>>) target(%arg7 : memref<128xi32, #tpu.memory_space<vmem>>) target_semaphore(%arg13 : memref<!tpu.dma_semaphore, #tpu.memory_space<semaphore_mem>>)
    %dma_wait3A_36 = tpu.memref_slice %arg2[%mul3A_4] : memref<327680xi32, #tpu.memory_space<hbm>> -> memref<128xi32, #tpu.memory_space<hbm>>
    %dma_wait3A_37 = tpu.memref_slice %arg2[%mul3A_4] : memref<327680xi32, #tpu.memory_space<hbm>> -> memref<128xi32, #tpu.memory_space<hbm>>
    tpu.wait_dma2 semaphore(%arg11 : memref<!tpu.dma_semaphore, #tpu.memory_space<semaphore_mem>>) src(%dma_wait3A_37 : memref<128xi32, #tpu.memory_space<hbm>>) dst(%arg5 : memref<128xi32, #tpu.memory_space<vmem>>)
    %dma_start3A_38 = arith.constant 0 : i32
    %dma_start3A_39 = arith.constant 0 : i32
    %dma_start3A_40 = tpu.memref_slice %arg18[%dma_start3A_38, %dma_start3A_39] : memref<10240x128xf32, #tpu.memory_space<vmem_shared>> -> memref<10240x128xf32, #tpu.memory_space<vmem_shared>>
    tpu.enqueue_indirect_dma source(%arg8 : memref<128x128xf32, #tpu.memory_space<vmem>>) target(%dma_start3A_40 : memref<10240x128xf32, #tpu.memory_space<vmem_shared>>) offsets(%arg5 : memref<128xi32, #tpu.memory_space<vmem>>) semaphore(%arg15 : memref<!tpu.dma_semaphore, #tpu.memory_space<semaphore_mem>>) {add = true}
    %dma_wait3A_41 = tpu.memref_slice %arg2[%mul3A_4] : memref<327680xi32, #tpu.memory_space<hbm>> -> memref<128xi32, #tpu.memory_space<hbm>>
    %dma_wait3A_42 = tpu.memref_slice %arg2[%mul3A_4] : memref<327680xi32, #tpu.memory_space<hbm>> -> memref<128xi32, #tpu.memory_space<hbm>>
    tpu.wait_dma2 semaphore(%arg12 : memref<!tpu.dma_semaphore, #tpu.memory_space<semaphore_mem>>) src(%dma_wait3A_42 : memref<128xi32, #tpu.memory_space<hbm>>) dst(%arg6 : memref<128xi32, #tpu.memory_space<vmem>>)
    %dma_start3A_43 = arith.constant 0 : i32
    %dma_start3A_44 = arith.constant 0 : i32
    %dma_start3A_45 = tpu.memref_slice %arg18[%dma_start3A_43, %dma_start3A_44] : memref<10240x128xf32, #tpu.memory_space<vmem_shared>> -> memref<10240x128xf32, #tpu.memory_space<vmem_shared>>
    tpu.enqueue_indirect_dma source(%arg8 : memref<128x128xf32, #tpu.memory_space<vmem>>) target(%dma_start3A_45 : memref<10240x128xf32, #tpu.memory_space<vmem_shared>>) offsets(%arg6 : memref<128xi32, #tpu.memory_space<vmem>>) semaphore(%arg16 : memref<!tpu.dma_semaphore, #tpu.memory_space<semaphore_mem>>) {add = true}
    %dma_wait3A_46 = tpu.memref_slice %arg2[%mul3A_4] : memref<327680xi32, #tpu.memory_space<hbm>> -> memref<128xi32, #tpu.memory_space<hbm>>
    %dma_wait3A_47 = tpu.memref_slice %arg2[%mul3A_4] : memref<327680xi32, #tpu.memory_space<hbm>> -> memref<128xi32, #tpu.memory_space<hbm>>
    tpu.wait_dma2 semaphore(%arg13 : memref<!tpu.dma_semaphore, #tpu.memory_space<semaphore_mem>>) src(%dma_wait3A_47 : memref<128xi32, #tpu.memory_space<hbm>>) dst(%arg7 : memref<128xi32, #tpu.memory_space<vmem>>)
    %dma_start3A_48 = arith.constant 0 : i32
    %dma_start3A_49 = arith.constant 0 : i32
    %dma_start3A_50 = tpu.memref_slice %arg18[%dma_start3A_48, %dma_start3A_49] : memref<10240x128xf32, #tpu.memory_space<vmem_shared>> -> memref<10240x128xf32, #tpu.memory_space<vmem_shared>>
    tpu.enqueue_indirect_dma source(%arg8 : memref<128x128xf32, #tpu.memory_space<vmem>>) target(%dma_start3A_50 : memref<10240x128xf32, #tpu.memory_space<vmem_shared>>) offsets(%arg7 : memref<128xi32, #tpu.memory_space<vmem>>) semaphore(%arg17 : memref<!tpu.dma_semaphore, #tpu.memory_space<semaphore_mem>>) {add = true}
    %dma_wait3A_51 = arith.constant 0 : i32
    %dma_wait3A_52 = arith.constant 0 : i32
    %dma_wait3A_53 = tpu.memref_slice %arg18[%dma_wait3A_51, %dma_wait3A_52] : memref<10240x128xf32, #tpu.memory_space<vmem_shared>> -> memref<10240x128xf32, #tpu.memory_space<vmem_shared>>
    tpu.wait_indirect_dma semaphore(%arg14 : memref<!tpu.dma_semaphore, #tpu.memory_space<semaphore_mem>>) src(%arg8 : memref<128x128xf32, #tpu.memory_space<vmem>>) dst(%dma_wait3A_53 : memref<10240x128xf32, #tpu.memory_space<vmem_shared>>)
    %add3A_54 = arith.constant 512 : i32
    %add3A_55 = arith.addi %mul3A_4, %add3A_54 : i32
    %dma_start3A_56 = tpu.memref_slice %arg2[%add3A_55] : memref<327680xi32, #tpu.memory_space<hbm>> -> memref<128xi32, #tpu.memory_space<hbm>>
    %dma_start3A_57 = tpu.memref_slice %arg2[%add3A_55] : memref<327680xi32, #tpu.memory_space<hbm>> -> memref<128xi32, #tpu.memory_space<hbm>>
    tpu.enqueue_dma source(%dma_start3A_57 : memref<128xi32, #tpu.memory_space<hbm>>) target(%arg4 : memref<128xi32, #tpu.memory_space<vmem>>) target_semaphore(%arg10 : memref<!tpu.dma_semaphore, #tpu.memory_space<semaphore_mem>>)
    %scan3A_58 = arith.constant 0 : i32
    %scan3A_59 = arith.constant 18 : i32
    %scan3A_60 = arith.addi %scan3A_58, %scan3A_59 : i32
    %scan3A_61 = arith.constant 1 : i32
    scf.for %scan3A_124 = %scan3A_58 to %scan3A_60 step %scan3A_61  : i32 {
      %mul3A_125 = arith.constant 1 : i32
      %mul3A_126 = arith.muli %scan3A_124, %mul3A_125 : i32
      %add3A_127 = arith.constant 0 : i32
      %add3A_128 = arith.addi %add3A_127, %mul3A_126 : i32
      %mul3A_129 = arith.constant 4 : i32
      %mul3A_130 = arith.muli %mul3A_129, %add3A_128 : i32
      %add3A_131 = arith.constant 4 : i32
      %add3A_132 = arith.addi %add3A_131, %mul3A_130 : i32
      %add3A_133 = arith.constant 0 : i32
      %add3A_134 = arith.addi %add3A_132, %add3A_133 : i32
      %dma_wait3A_135 = tpu.memref_slice %arg2[%mul3A_4] : memref<327680xi32, #tpu.memory_space<hbm>> -> memref<128xi32, #tpu.memory_space<hbm>>
      %dma_wait3A_136 = tpu.memref_slice %arg2[%mul3A_4] : memref<327680xi32, #tpu.memory_space<hbm>> -> memref<128xi32, #tpu.memory_space<hbm>>
      tpu.wait_dma2 semaphore(%arg10 : memref<!tpu.dma_semaphore, #tpu.memory_space<semaphore_mem>>) src(%dma_wait3A_136 : memref<128xi32, #tpu.memory_space<hbm>>) dst(%arg4 : memref<128xi32, #tpu.memory_space<vmem>>)
      %dma_start3A_137 = arith.constant 0 : i32
      %dma_start3A_138 = arith.constant 0 : i32
      %dma_start3A_139 = tpu.memref_slice %arg18[%dma_start3A_137, %dma_start3A_138] : memref<10240x128xf32, #tpu.memory_space<vmem_shared>> -> memref<10240x128xf32, #tpu.memory_space<vmem_shared>>
      tpu.enqueue_indirect_dma source(%arg8 : memref<128x128xf32, #tpu.memory_space<vmem>>) target(%dma_start3A_139 : memref<10240x128xf32, #tpu.memory_space<vmem_shared>>) offsets(%arg4 : memref<128xi32, #tpu.memory_space<vmem>>) semaphore(%arg14 : memref<!tpu.dma_semaphore, #tpu.memory_space<semaphore_mem>>) {add = true}
      %dma_wait3A_140 = arith.constant 0 : i32
      %dma_wait3A_141 = arith.constant 0 : i32
      %dma_wait3A_142 = tpu.memref_slice %arg18[%dma_wait3A_140, %dma_wait3A_141] : memref<10240x128xf32, #tpu.memory_space<vmem_shared>> -> memref<10240x128xf32, #tpu.memory_space<vmem_shared>>
      tpu.wait_indirect_dma semaphore(%arg15 : memref<!tpu.dma_semaphore, #tpu.memory_space<semaphore_mem>>) src(%arg8 : memref<128x128xf32, #tpu.memory_space<vmem>>) dst(%dma_wait3A_142 : memref<10240x128xf32, #tpu.memory_space<vmem_shared>>)
      %add3A_143 = arith.constant 1 : i32
      %add3A_144 = arith.addi %add3A_134, %add3A_143 : i32
      %mul3A_145 = arith.constant 128 : i32
      %mul3A_146 = arith.muli %add3A_144, %mul3A_145 : i32
      %add3A_147 = arith.addi %mul3A_4, %mul3A_146 : i32
      %dma_start3A_148 = tpu.memref_slice %arg2[%add3A_147] : memref<327680xi32, #tpu.memory_space<hbm>> -> memref<128xi32, #tpu.memory_space<hbm>>
      %dma_start3A_149 = tpu.memref_slice %arg2[%add3A_147] : memref<327680xi32, #tpu.memory_space<hbm>> -> memref<128xi32, #tpu.memory_space<hbm>>
      tpu.enqueue_dma source(%dma_start3A_149 : memref<128xi32, #tpu.memory_space<hbm>>) target(%arg5 : memref<128xi32, #tpu.memory_space<vmem>>) target_semaphore(%arg11 : memref<!tpu.dma_semaphore, #tpu.memory_space<semaphore_mem>>)
      %add3A_150 = arith.constant 1 : i32
      %add3A_151 = arith.addi %add3A_132, %add3A_150 : i32
      %dma_wait3A_152 = tpu.memref_slice %arg2[%mul3A_4] : memref<327680xi32, #tpu.memory_space<hbm>> -> memref<128xi32, #tpu.memory_space<hbm>>
      %dma_wait3A_153 = tpu.memref_slice %arg2[%mul3A_4] : memref<327680xi32, #tpu.memory_space<hbm>> -> memref<128xi32, #tpu.memory_space<hbm>>
      tpu.wait_dma2 semaphore(%arg11 : memref<!tpu.dma_semaphore, #tpu.memory_space<semaphore_mem>>) src(%dma_wait3A_153 : memref<128xi32, #tpu.memory_space<hbm>>) dst(%arg5 : memref<128xi32, #tpu.memory_space<vmem>>)
      %dma_start3A_154 = arith.constant 0 : i32
      %dma_start3A_155 = arith.constant 0 : i32
      %dma_start3A_156 = tpu.memref_slice %arg18[%dma_start3A_154, %dma_start3A_155] : memref<10240x128xf32, #tpu.memory_space<vmem_shared>> -> memref<10240x128xf32, #tpu.memory_space<vmem_shared>>
      tpu.enqueue_indirect_dma source(%arg8 : memref<128x128xf32, #tpu.memory_space<vmem>>) target(%dma_start3A_156 : memref<10240x128xf32, #tpu.memory_space<vmem_shared>>) offsets(%arg5 : memref<128xi32, #tpu.memory_space<vmem>>) semaphore(%arg15 : memref<!tpu.dma_semaphore, #tpu.memory_space<semaphore_mem>>) {add = true}
      %dma_wait3A_157 = arith.constant 0 : i32
      %dma_wait3A_158 = arith.constant 0 : i32
      %dma_wait3A_159 = tpu.memref_slice %arg18[%dma_wait3A_157, %dma_wait3A_158] : memref<10240x128xf32, #tpu.memory_space<vmem_shared>> -> memref<10240x128xf32, #tpu.memory_space<vmem_shared>>
      tpu.wait_indirect_dma semaphore(%arg16 : memref<!tpu.dma_semaphore, #tpu.memory_space<semaphore_mem>>) src(%arg8 : memref<128x128xf32, #tpu.memory_space<vmem>>) dst(%dma_wait3A_159 : memref<10240x128xf32, #tpu.memory_space<vmem_shared>>)
      %add3A_160 = arith.constant 1 : i32
      %add3A_161 = arith.addi %add3A_151, %add3A_160 : i32
      %mul3A_162 = arith.constant 128 : i32
      %mul3A_163 = arith.muli %add3A_161, %mul3A_162 : i32
      %add3A_164 = arith.addi %mul3A_4, %mul3A_163 : i32
      %dma_start3A_165 = tpu.memref_slice %arg2[%add3A_164] : memref<327680xi32, #tpu.memory_space<hbm>> -> memref<128xi32, #tpu.memory_space<hbm>>
      %dma_start3A_166 = tpu.memref_slice %arg2[%add3A_164] : memref<327680xi32, #tpu.memory_space<hbm>> -> memref<128xi32, #tpu.memory_space<hbm>>
      tpu.enqueue_dma source(%dma_start3A_166 : memref<128xi32, #tpu.memory_space<hbm>>) target(%arg6 : memref<128xi32, #tpu.memory_space<vmem>>) target_semaphore(%arg12 : memref<!tpu.dma_semaphore, #tpu.memory_space<semaphore_mem>>)
      %add3A_167 = arith.constant 2 : i32
      %add3A_168 = arith.addi %add3A_132, %add3A_167 : i32
      %dma_wait3A_169 = tpu.memref_slice %arg2[%mul3A_4] : memref<327680xi32, #tpu.memory_space<hbm>> -> memref<128xi32, #tpu.memory_space<hbm>>
      %dma_wait3A_170 = tpu.memref_slice %arg2[%mul3A_4] : memref<327680xi32, #tpu.memory_space<hbm>> -> memref<128xi32, #tpu.memory_space<hbm>>
      tpu.wait_dma2 semaphore(%arg12 : memref<!tpu.dma_semaphore, #tpu.memory_space<semaphore_mem>>) src(%dma_wait3A_170 : memref<128xi32, #tpu.memory_space<hbm>>) dst(%arg6 : memref<128xi32, #tpu.memory_space<vmem>>)
      %dma_start3A_171 = arith.constant 0 : i32
      %dma_start3A_172 = arith.constant 0 : i32
      %dma_start3A_173 = tpu.memref_slice %arg18[%dma_start3A_171, %dma_start3A_172] : memref<10240x128xf32, #tpu.memory_space<vmem_shared>> -> memref<10240x128xf32, #tpu.memory_space<vmem_shared>>
      tpu.enqueue_indirect_dma source(%arg8 : memref<128x128xf32, #tpu.memory_space<vmem>>) target(%dma_start3A_173 : memref<10240x128xf32, #tpu.memory_space<vmem_shared>>) offsets(%arg6 : memref<128xi32, #tpu.memory_space<vmem>>) semaphore(%arg16 : memref<!tpu.dma_semaphore, #tpu.memory_space<semaphore_mem>>) {add = true}
      %dma_wait3A_174 = arith.constant 0 : i32
      %dma_wait3A_175 = arith.constant 0 : i32
      %dma_wait3A_176 = tpu.memref_slice %arg18[%dma_wait3A_174, %dma_wait3A_175] : memref<10240x128xf32, #tpu.memory_space<vmem_shared>> -> memref<10240x128xf32, #tpu.memory_space<vmem_shared>>
      tpu.wait_indirect_dma semaphore(%arg17 : memref<!tpu.dma_semaphore, #tpu.memory_space<semaphore_mem>>) src(%arg8 : memref<128x128xf32, #tpu.memory_space<vmem>>) dst(%dma_wait3A_176 : memref<10240x128xf32, #tpu.memory_space<vmem_shared>>)
      %add3A_177 = arith.constant 1 : i32
      %add3A_178 = arith.addi %add3A_168, %add3A_177 : i32
      %mul3A_179 = arith.constant 128 : i32
      %mul3A_180 = arith.muli %add3A_178, %mul3A_179 : i32
      %add3A_181 = arith.addi %mul3A_4, %mul3A_180 : i32
      %dma_start3A_182 = tpu.memref_slice %arg2[%add3A_181] : memref<327680xi32, #tpu.memory_space<hbm>> -> memref<128xi32, #tpu.memory_space<hbm>>
      %dma_start3A_183 = tpu.memref_slice %arg2[%add3A_181] : memref<327680xi32, #tpu.memory_space<hbm>> -> memref<128xi32, #tpu.memory_space<hbm>>
      tpu.enqueue_dma source(%dma_start3A_183 : memref<128xi32, #tpu.memory_space<hbm>>) target(%arg7 : memref<128xi32, #tpu.memory_space<vmem>>) target_semaphore(%arg13 : memref<!tpu.dma_semaphore, #tpu.memory_space<semaphore_mem>>)
      %add3A_184 = arith.constant 3 : i32
      %add3A_185 = arith.addi %add3A_132, %add3A_184 : i32
      %dma_wait3A_186 = tpu.memref_slice %arg2[%mul3A_4] : memref<327680xi32, #tpu.memory_space<hbm>> -> memref<128xi32, #tpu.memory_space<hbm>>
      %dma_wait3A_187 = tpu.memref_slice %arg2[%mul3A_4] : memref<327680xi32, #tpu.memory_space<hbm>> -> memref<128xi32, #tpu.memory_space<hbm>>
      tpu.wait_dma2 semaphore(%arg13 : memref<!tpu.dma_semaphore, #tpu.memory_space<semaphore_mem>>) src(%dma_wait3A_187 : memref<128xi32, #tpu.memory_space<hbm>>) dst(%arg7 : memref<128xi32, #tpu.memory_space<vmem>>)
      %dma_start3A_188 = arith.constant 0 : i32
      %dma_start3A_189 = arith.constant 0 : i32
      %dma_start3A_190 = tpu.memref_slice %arg18[%dma_start3A_188, %dma_start3A_189] : memref<10240x128xf32, #tpu.memory_space<vmem_shared>> -> memref<10240x128xf32, #tpu.memory_space<vmem_shared>>
      tpu.enqueue_indirect_dma source(%arg8 : memref<128x128xf32, #tpu.memory_space<vmem>>) target(%dma_start3A_190 : memref<10240x128xf32, #tpu.memory_space<vmem_shared>>) offsets(%arg7 : memref<128xi32, #tpu.memory_space<vmem>>) semaphore(%arg17 : memref<!tpu.dma_semaphore, #tpu.memory_space<semaphore_mem>>) {add = true}
      %dma_wait3A_191 = arith.constant 0 : i32
      %dma_wait3A_192 = arith.constant 0 : i32
      %dma_wait3A_193 = tpu.memref_slice %arg18[%dma_wait3A_191, %dma_wait3A_192] : memref<10240x128xf32, #tpu.memory_space<vmem_shared>> -> memref<10240x128xf32, #tpu.memory_space<vmem_shared>>
      tpu.wait_indirect_dma semaphore(%arg14 : memref<!tpu.dma_semaphore, #tpu.memory_space<semaphore_mem>>) src(%arg8 : memref<128x128xf32, #tpu.memory_space<vmem>>) dst(%dma_wait3A_193 : memref<10240x128xf32, #tpu.memory_space<vmem_shared>>)
      %add3A_194 = arith.constant 1 : i32
      %add3A_195 = arith.addi %add3A_185, %add3A_194 : i32
      %mul3A_196 = arith.constant 128 : i32
      %mul3A_197 = arith.muli %add3A_195, %mul3A_196 : i32
      %add3A_198 = arith.addi %mul3A_4, %mul3A_197 : i32
      %dma_start3A_199 = tpu.memref_slice %arg2[%add3A_198] : memref<327680xi32, #tpu.memory_space<hbm>> -> memref<128xi32, #tpu.memory_space<hbm>>
      %dma_start3A_200 = tpu.memref_slice %arg2[%add3A_198] : memref<327680xi32, #tpu.memory_space<hbm>> -> memref<128xi32, #tpu.memory_space<hbm>>
      tpu.enqueue_dma source(%dma_start3A_200 : memref<128xi32, #tpu.memory_space<hbm>>) target(%arg4 : memref<128xi32, #tpu.memory_space<vmem>>) target_semaphore(%arg10 : memref<!tpu.dma_semaphore, #tpu.memory_space<semaphore_mem>>)
    }
    %scan3A_62 = arith.constant 18 : i32
    %dma_wait3A_63 = tpu.memref_slice %arg2[%mul3A_4] : memref<327680xi32, #tpu.memory_space<hbm>> -> memref<128xi32, #tpu.memory_space<hbm>>
    %dma_wait3A_64 = tpu.memref_slice %arg2[%mul3A_4] : memref<327680xi32, #tpu.memory_space<hbm>> -> memref<128xi32, #tpu.memory_space<hbm>>
    tpu.wait_dma2 semaphore(%arg10 : memref<!tpu.dma_semaphore, #tpu.memory_space<semaphore_mem>>) src(%dma_wait3A_64 : memref<128xi32, #tpu.memory_space<hbm>>) dst(%arg4 : memref<128xi32, #tpu.memory_space<vmem>>)
    %dma_start3A_65 = arith.constant 0 : i32
    %dma_start3A_66 = arith.constant 0 : i32
    %dma_start3A_67 = tpu.memref_slice %arg18[%dma_start3A_65, %dma_start3A_66] : memref<10240x128xf32, #tpu.memory_space<vmem_shared>> -> memref<10240x128xf32, #tpu.memory_space<vmem_shared>>
    tpu.enqueue_indirect_dma source(%arg8 : memref<128x128xf32, #tpu.memory_space<vmem>>) target(%dma_start3A_67 : memref<10240x128xf32, #tpu.memory_space<vmem_shared>>) offsets(%arg4 : memref<128xi32, #tpu.memory_space<vmem>>) semaphore(%arg14 : memref<!tpu.dma_semaphore, #tpu.memory_space<semaphore_mem>>) {add = true}
    %dma_wait3A_68 = arith.constant 0 : i32
    %dma_wait3A_69 = arith.constant 0 : i32
    %dma_wait3A_70 = tpu.memref_slice %arg18[%dma_wait3A_68, %dma_wait3A_69] : memref<10240x128xf32, #tpu.memory_space<vmem_shared>> -> memref<10240x128xf32, #tpu.memory_space<vmem_shared>>
    tpu.wait_indirect_dma semaphore(%arg15 : memref<!tpu.dma_semaphore, #tpu.memory_space<semaphore_mem>>) src(%arg8 : memref<128x128xf32, #tpu.memory_space<vmem>>) dst(%dma_wait3A_70 : memref<10240x128xf32, #tpu.memory_space<vmem_shared>>)
    %add3A_71 = arith.constant 9856 : i32
    %add3A_72 = arith.addi %mul3A_4, %add3A_71 : i32
    %dma_start3A_73 = tpu.memref_slice %arg2[%add3A_72] : memref<327680xi32, #tpu.memory_space<hbm>> -> memref<128xi32, #tpu.memory_space<hbm>>
    %dma_start3A_74 = tpu.memref_slice %arg2[%add3A_72] : memref<327680xi32, #tpu.memory_space<hbm>> -> memref<128xi32, #tpu.memory_space<hbm>>
    tpu.enqueue_dma source(%dma_start3A_74 : memref<128xi32, #tpu.memory_space<hbm>>) target(%arg5 : memref<128xi32, #tpu.memory_space<vmem>>) target_semaphore(%arg11 : memref<!tpu.dma_semaphore, #tpu.memory_space<semaphore_mem>>)
    %dma_wait3A_75 = tpu.memref_slice %arg2[%mul3A_4] : memref<327680xi32, #tpu.memory_space<hbm>> -> memref<128xi32, #tpu.memory_space<hbm>>
    %dma_wait3A_76 = tpu.memref_slice %arg2[%mul3A_4] : memref<327680xi32, #tpu.memory_space<hbm>> -> memref<128xi32, #tpu.memory_space<hbm>>
    tpu.wait_dma2 semaphore(%arg11 : memref<!tpu.dma_semaphore, #tpu.memory_space<semaphore_mem>>) src(%dma_wait3A_76 : memref<128xi32, #tpu.memory_space<hbm>>) dst(%arg5 : memref<128xi32, #tpu.memory_space<vmem>>)
    %dma_start3A_77 = arith.constant 0 : i32
    %dma_start3A_78 = arith.constant 0 : i32
    %dma_start3A_79 = tpu.memref_slice %arg18[%dma_start3A_77, %dma_start3A_78] : memref<10240x128xf32, #tpu.memory_space<vmem_shared>> -> memref<10240x128xf32, #tpu.memory_space<vmem_shared>>
    tpu.enqueue_indirect_dma source(%arg8 : memref<128x128xf32, #tpu.memory_space<vmem>>) target(%dma_start3A_79 : memref<10240x128xf32, #tpu.memory_space<vmem_shared>>) offsets(%arg5 : memref<128xi32, #tpu.memory_space<vmem>>) semaphore(%arg15 : memref<!tpu.dma_semaphore, #tpu.memory_space<semaphore_mem>>) {add = true}
    %dma_wait3A_80 = arith.constant 0 : i32
    %dma_wait3A_81 = arith.constant 0 : i32
    %dma_wait3A_82 = tpu.memref_slice %arg18[%dma_wait3A_80, %dma_wait3A_81] : memref<10240x128xf32, #tpu.memory_space<vmem_shared>> -> memref<10240x128xf32, #tpu.memory_space<vmem_shared>>
    tpu.wait_indirect_dma semaphore(%arg16 : memref<!tpu.dma_semaphore, #tpu.memory_space<semaphore_mem>>) src(%arg8 : memref<128x128xf32, #tpu.memory_space<vmem>>) dst(%dma_wait3A_82 : memref<10240x128xf32, #tpu.memory_space<vmem_shared>>)
    %add3A_83 = arith.constant 9984 : i32
    %add3A_84 = arith.addi %mul3A_4, %add3A_83 : i32
    %dma_start3A_85 = tpu.memref_slice %arg2[%add3A_84] : memref<327680xi32, #tpu.memory_space<hbm>> -> memref<128xi32, #tpu.memory_space<hbm>>
    %dma_start3A_86 = tpu.memref_slice %arg2[%add3A_84] : memref<327680xi32, #tpu.memory_space<hbm>> -> memref<128xi32, #tpu.memory_space<hbm>>
    tpu.enqueue_dma source(%dma_start3A_86 : memref<128xi32, #tpu.memory_space<hbm>>) target(%arg6 : memref<128xi32, #tpu.memory_space<vmem>>) target_semaphore(%arg12 : memref<!tpu.dma_semaphore, #tpu.memory_space<semaphore_mem>>)
    %dma_wait3A_87 = tpu.memref_slice %arg2[%mul3A_4] : memref<327680xi32, #tpu.memory_space<hbm>> -> memref<128xi32, #tpu.memory_space<hbm>>
    %dma_wait3A_88 = tpu.memref_slice %arg2[%mul3A_4] : memref<327680xi32, #tpu.memory_space<hbm>> -> memref<128xi32, #tpu.memory_space<hbm>>
    tpu.wait_dma2 semaphore(%arg12 : memref<!tpu.dma_semaphore, #tpu.memory_space<semaphore_mem>>) src(%dma_wait3A_88 : memref<128xi32, #tpu.memory_space<hbm>>) dst(%arg6 : memref<128xi32, #tpu.memory_space<vmem>>)
    %dma_start3A_89 = arith.constant 0 : i32
    %dma_start3A_90 = arith.constant 0 : i32
    %dma_start3A_91 = tpu.memref_slice %arg18[%dma_start3A_89, %dma_start3A_90] : memref<10240x128xf32, #tpu.memory_space<vmem_shared>> -> memref<10240x128xf32, #tpu.memory_space<vmem_shared>>
    tpu.enqueue_indirect_dma source(%arg8 : memref<128x128xf32, #tpu.memory_space<vmem>>) target(%dma_start3A_91 : memref<10240x128xf32, #tpu.memory_space<vmem_shared>>) offsets(%arg6 : memref<128xi32, #tpu.memory_space<vmem>>) semaphore(%arg16 : memref<!tpu.dma_semaphore, #tpu.memory_space<semaphore_mem>>) {add = true}
    %dma_wait3A_92 = arith.constant 0 : i32
    %dma_wait3A_93 = arith.constant 0 : i32
    %dma_wait3A_94 = tpu.memref_slice %arg18[%dma_wait3A_92, %dma_wait3A_93] : memref<10240x128xf32, #tpu.memory_space<vmem_shared>> -> memref<10240x128xf32, #tpu.memory_space<vmem_shared>>
    tpu.wait_indirect_dma semaphore(%arg17 : memref<!tpu.dma_semaphore, #tpu.memory_space<semaphore_mem>>) src(%arg8 : memref<128x128xf32, #tpu.memory_space<vmem>>) dst(%dma_wait3A_94 : memref<10240x128xf32, #tpu.memory_space<vmem_shared>>)
    %add3A_95 = arith.constant 10112 : i32
    %add3A_96 = arith.addi %mul3A_4, %add3A_95 : i32
    %dma_start3A_97 = tpu.memref_slice %arg2[%add3A_96] : memref<327680xi32, #tpu.memory_space<hbm>> -> memref<128xi32, #tpu.memory_space<hbm>>
    %dma_start3A_98 = tpu.memref_slice %arg2[%add3A_96] : memref<327680xi32, #tpu.memory_space<hbm>> -> memref<128xi32, #tpu.memory_space<hbm>>
    tpu.enqueue_dma source(%dma_start3A_98 : memref<128xi32, #tpu.memory_space<hbm>>) target(%arg7 : memref<128xi32, #tpu.memory_space<vmem>>) target_semaphore(%arg13 : memref<!tpu.dma_semaphore, #tpu.memory_space<semaphore_mem>>)
    %dma_wait3A_99 = tpu.memref_slice %arg2[%mul3A_4] : memref<327680xi32, #tpu.memory_space<hbm>> -> memref<128xi32, #tpu.memory_space<hbm>>
    %dma_wait3A_100 = tpu.memref_slice %arg2[%mul3A_4] : memref<327680xi32, #tpu.memory_space<hbm>> -> memref<128xi32, #tpu.memory_space<hbm>>
    tpu.wait_dma2 semaphore(%arg13 : memref<!tpu.dma_semaphore, #tpu.memory_space<semaphore_mem>>) src(%dma_wait3A_100 : memref<128xi32, #tpu.memory_space<hbm>>) dst(%arg7 : memref<128xi32, #tpu.memory_space<vmem>>)
    %dma_start3A_101 = arith.constant 0 : i32
    %dma_start3A_102 = arith.constant 0 : i32
    %dma_start3A_103 = tpu.memref_slice %arg18[%dma_start3A_101, %dma_start3A_102] : memref<10240x128xf32, #tpu.memory_space<vmem_shared>> -> memref<10240x128xf32, #tpu.memory_space<vmem_shared>>
    tpu.enqueue_indirect_dma source(%arg8 : memref<128x128xf32, #tpu.memory_space<vmem>>) target(%dma_start3A_103 : memref<10240x128xf32, #tpu.memory_space<vmem_shared>>) offsets(%arg7 : memref<128xi32, #tpu.memory_space<vmem>>) semaphore(%arg17 : memref<!tpu.dma_semaphore, #tpu.memory_space<semaphore_mem>>) {add = true}
    %dma_wait3A_104 = arith.constant 0 : i32
    %dma_wait3A_105 = arith.constant 0 : i32
    %dma_wait3A_106 = tpu.memref_slice %arg18[%dma_wait3A_104, %dma_wait3A_105] : memref<10240x128xf32, #tpu.memory_space<vmem_shared>> -> memref<10240x128xf32, #tpu.memory_space<vmem_shared>>
    tpu.wait_indirect_dma semaphore(%arg14 : memref<!tpu.dma_semaphore, #tpu.memory_space<semaphore_mem>>) src(%arg8 : memref<128x128xf32, #tpu.memory_space<vmem>>) dst(%dma_wait3A_106 : memref<10240x128xf32, #tpu.memory_space<vmem_shared>>)
    %dma_wait3A_107 = arith.constant 0 : i32
    %dma_wait3A_108 = arith.constant 0 : i32
    %dma_wait3A_109 = tpu.memref_slice %arg18[%dma_wait3A_107, %dma_wait3A_108] : memref<10240x128xf32, #tpu.memory_space<vmem_shared>> -> memref<10240x128xf32, #tpu.memory_space<vmem_shared>>
    tpu.wait_indirect_dma semaphore(%arg15 : memref<!tpu.dma_semaphore, #tpu.memory_space<semaphore_mem>>) src(%arg8 : memref<128x128xf32, #tpu.memory_space<vmem>>) dst(%dma_wait3A_109 : memref<10240x128xf32, #tpu.memory_space<vmem_shared>>)
    %dma_wait3A_110 = arith.constant 0 : i32
    %dma_wait3A_111 = arith.constant 0 : i32
    %dma_wait3A_112 = tpu.memref_slice %arg18[%dma_wait3A_110, %dma_wait3A_111] : memref<10240x128xf32, #tpu.memory_space<vmem_shared>> -> memref<10240x128xf32, #tpu.memory_space<vmem_shared>>
    tpu.wait_indirect_dma semaphore(%arg16 : memref<!tpu.dma_semaphore, #tpu.memory_space<semaphore_mem>>) src(%arg8 : memref<128x128xf32, #tpu.memory_space<vmem>>) dst(%dma_wait3A_112 : memref<10240x128xf32, #tpu.memory_space<vmem_shared>>)
    %dma_wait3A_113 = arith.constant 0 : i32
    %dma_wait3A_114 = arith.constant 0 : i32
    %dma_wait3A_115 = tpu.memref_slice %arg18[%dma_wait3A_113, %dma_wait3A_114] : memref<10240x128xf32, #tpu.memory_space<vmem_shared>> -> memref<10240x128xf32, #tpu.memory_space<vmem_shared>>
    tpu.wait_indirect_dma semaphore(%arg17 : memref<!tpu.dma_semaphore, #tpu.memory_space<semaphore_mem>>) src(%arg8 : memref<128x128xf32, #tpu.memory_space<vmem>>) dst(%dma_wait3A_115 : memref<10240x128xf32, #tpu.memory_space<vmem_shared>>)
    %barrier3A_116 = arith.constant 0 : index
    tpu.barrier barrier_id(%barrier3A_116)
    %mul3A_117 = arith.constant 640 : i32
    %mul3A_118 = arith.muli %arg1, %mul3A_117 : i32
    %mul3A_119 = arith.constant 10240 : i32
    %mul3A_120 = arith.muli %arg0, %mul3A_119 : i32
    %mul3A_121 = arith.constant 640 : i32
    %mul3A_122 = arith.muli %arg1, %mul3A_121 : i32
    %add3A_123 = arith.addi %mul3A_120, %mul3A_122 : i32
    "tpu.region"() ({
      %run_scoped3A = tpu.sem_alloc : memref<!tpu.dma_semaphore, #tpu.memory_space<semaphore_mem>>
      %dma_start3A_124 = arith.constant 0 : i32
      %dma_start3A_125 = tpu.memref_slice %arg3[%add3A_123, %dma_start3A_124] : memref<20480x128xf32, #tpu.memory_space<hbm>> -> memref<640x128xf32, #tpu.memory_space<hbm>>
      %dma_start3A_126 = arith.constant 0 : i32
      %dma_start3A_127 = tpu.memref_slice %arg18[%mul3A_118, %dma_start3A_126] : memref<10240x128xf32, #tpu.memory_space<vmem_shared>> -> memref<640x128xf32, #tpu.memory_space<vmem_shared>>
      tpu.enqueue_dma source(%dma_start3A_127 : memref<640x128xf32, #tpu.memory_space<vmem_shared>>) target(%dma_start3A_125 : memref<640x128xf32, #tpu.memory_space<hbm>>) target_semaphore(%run_scoped3A : memref<!tpu.dma_semaphore, #tpu.memory_space<semaphore_mem>>)
      %dma_wait3A_128 = arith.constant 0 : i32
      %dma_wait3A_129 = tpu.memref_slice %arg3[%add3A_123, %dma_wait3A_128] : memref<20480x128xf32, #tpu.memory_space<hbm>> -> memref<640x128xf32, #tpu.memory_space<hbm>>
      %dma_wait3A_130 = arith.constant 0 : i32
      %dma_wait3A_131 = tpu.memref_slice %arg18[%mul3A_118, %dma_wait3A_130] : memref<10240x128xf32, #tpu.memory_space<vmem_shared>> -> memref<640x128xf32, #tpu.memory_space<vmem_shared>>
      tpu.wait_dma2 semaphore(%run_scoped3A : memref<!tpu.dma_semaphore, #tpu.memory_space<semaphore_mem>>) src(%dma_wait3A_131 : memref<640x128xf32, #tpu.memory_space<vmem_shared>>) dst(%dma_wait3A_129 : memref<640x128xf32, #tpu.memory_space<hbm>>)
      tpu.yield
    }) : () -> ()
    return
  }
}

module attributes {stable_mosaic.version = 14 : i64} {
  func.func @body(%arg0: i32, %arg1: memref<2x2048x128xf32, #tpu.memory_space<vmem>>, %arg2: memref<2048x128xf32, #tpu.memory_space<vmem>>, %arg3: memref<2048x128xf32, #tpu.memory_space<vmem>>) attributes {dimension_semantics = [#tpu.dimension_semantics<arbitrary>], iteration_bounds = array<i64: 5>, scalar_prefetch = 0 : i64, scratch_operands = 0 : i64, tpu.core_type = #tpu.core_type<tc>, window_params = [{transform_indices = @transform_0, window_bounds = array<i64: 2, 2048, 128>}, {transform_indices = @transform_1, window_bounds = array<i64: 2048, 128>}, {transform_indices = @transform_2, window_bounds = array<i64: 2048, 128>}]} {
    %get3A = arith.constant 0 : index
    %get3A_0 = arith.constant 0 : index
    %get3A_1 = arith.constant 0 : index
    %get3A_2 = vector.load %arg1[%get3A, %get3A_0, %get3A_1] : memref<2x2048x128xf32, #tpu.memory_space<vmem>>, vector<1x2048x1xf32>
    %get3A_3 = vector.shape_cast %get3A_2 : vector<1x2048x1xf32> to vector<2048x1xf32>
    %get3A_4 = arith.constant 1 : index
    %get3A_5 = arith.constant 0 : index
    %get3A_6 = arith.constant 0 : index
    %get3A_7 = vector.load %arg1[%get3A_4, %get3A_5, %get3A_6] : memref<2x2048x128xf32, #tpu.memory_space<vmem>>, vector<1x2048x1xf32>
    %get3A_8 = vector.shape_cast %get3A_7 : vector<1x2048x1xf32> to vector<2048x1xf32>
    %add3A = arith.addf %get3A_3, %get3A_8 : vector<2048x1xf32>
    %add3A_9 = arith.constant 1.000000e+00 : f32
    %add3A_10 = vector.broadcast %add3A_9 : f32 to vector<2048x1xf32>
    %add3A_11 = arith.addf %add3A, %add3A_10 : vector<2048x1xf32>
    %get3A_12 = arith.constant 0 : index
    %get3A_13 = arith.constant 0 : index
    %get3A_14 = vector.load %arg2[%get3A_12, %get3A_13] : memref<2048x128xf32, #tpu.memory_space<vmem>>, vector<2048x128xf32>
    %rsqrt3A = math.rsqrt %add3A_11 : vector<2048x1xf32>
    %mul3A = vector.broadcast %rsqrt3A : vector<2048x1xf32> to vector<2048x128xf32>
    %mul3A_15 = arith.mulf %get3A_14, %mul3A : vector<2048x128xf32>
    %swap3A = arith.constant 0 : index
    %swap3A_16 = arith.constant 0 : index
    %swap3A_17 = vector.load %arg3[%swap3A, %swap3A_16] : memref<2048x128xf32, #tpu.memory_space<vmem>>, vector<2048x128xf32>
    tpu.vector_store %arg3[%swap3A, %swap3A_16], %mul3A_15 {strides = array<i32>} : memref<2048x128xf32, #tpu.memory_space<vmem>>, vector<2048x128xf32>,
    return
  }
  func.func @transform_0(%arg0: i32) -> (i32, i32, i32) {
    %c0_i32 = arith.constant 0 : i32
    %c0_i32_0 = arith.constant 0 : i32
    %c0_i32_1 = arith.constant 0 : i32
    return %c0_i32, %arg0, %c0_i32_0 : i32, i32, i32
  }
  func.func @transform_1(%arg0: i32) -> (i32, i32) {
    %c0_i32 = arith.constant 0 : i32
    %c0_i32_0 = arith.constant 0 : i32
    return %arg0, %c0_i32 : i32, i32
  }
  func.func @transform_2(%arg0: i32) -> (i32, i32) {
    %c0_i32 = arith.constant 0 : i32
    %c0_i32_0 = arith.constant 0 : i32
    return %arg0, %c0_i32 : i32, i32
  }
}

module attributes {stable_mosaic.version = 14 : i64} {
  func.func @body(%arg0: i32, %arg1: memref<2x2000x128xf32, #tpu.memory_space<vmem>>, %arg2: memref<2000x128xf32, #tpu.memory_space<vmem>>, %arg3: memref<2x2000x128xf32, #tpu.memory_space<vmem>>, %arg4: memref<128x512xf32, #tpu.memory_space<vmem>>, %arg5: memref<1x512xf32, #tpu.memory_space<vmem>>, %arg6: memref<512x128xf32, #tpu.memory_space<vmem>>, %arg7: memref<1x128xf32, #tpu.memory_space<vmem>>, %arg8: memref<2000x512xf32, #tpu.memory_space<vmem>>, %arg9: memref<2000x128xf32, #tpu.memory_space<vmem>>) attributes {dimension_semantics = [#tpu.dimension_semantics<arbitrary>], iteration_bounds = array<i64: 5>, scalar_prefetch = 0 : i64, scratch_operands = 0 : i64, tpu.core_type = #tpu.core_type<tc>, window_params = [{transform_indices = @transform_0, window_bounds = array<i64: 2, 2000, 128>}, {transform_indices = @transform_1, window_bounds = array<i64: 2000, 128>}, {transform_indices = @transform_2, window_bounds = array<i64: 2, 2000, 128>}, {pipeline_mode = #tpu.pipeline_mode<synchronous>, transform_indices = @transform_3, window_bounds = array<i64: 128, 512>}, {pipeline_mode = #tpu.pipeline_mode<synchronous>, transform_indices = @transform_4, window_bounds = array<i64: 1, 512>}, {pipeline_mode = #tpu.pipeline_mode<synchronous>, transform_indices = @transform_5, window_bounds = array<i64: 512, 128>}, {pipeline_mode = #tpu.pipeline_mode<synchronous>, transform_indices = @transform_6, window_bounds = array<i64: 1, 128>}, {transform_indices = @transform_7, window_bounds = array<i64: 2000, 512>}, {transform_indices = @transform_8, window_bounds = array<i64: 2000, 128>}]} {
    %get3A = arith.constant 0 : index
    %get3A_0 = arith.constant 0 : index
    %get3A_1 = arith.constant 0 : index
    %get3A_2 = vector.load %arg1[%get3A, %get3A_0, %get3A_1] : memref<2x2000x128xf32, #tpu.memory_space<vmem>>, vector<1x2000x1xf32>
    %get3A_3 = vector.shape_cast %get3A_2 : vector<1x2000x1xf32> to vector<2000x1xf32>
    %get3A_4 = arith.constant 1 : index
    %get3A_5 = arith.constant 0 : index
    %get3A_6 = arith.constant 0 : index
    %get3A_7 = vector.load %arg1[%get3A_4, %get3A_5, %get3A_6] : memref<2x2000x128xf32, #tpu.memory_space<vmem>>, vector<1x2000x1xf32>
    %get3A_8 = vector.shape_cast %get3A_7 : vector<1x2000x1xf32> to vector<2000x1xf32>
    %add3A = arith.addf %get3A_3, %get3A_8 : vector<2000x1xf32>
    %add3A_9 = arith.constant 1.000000e+00 : f32
    %add3A_10 = vector.broadcast %add3A_9 : f32 to vector<2000x1xf32>
    %add3A_11 = arith.addf %add3A, %add3A_10 : vector<2000x1xf32>
    %rsqrt3A = math.rsqrt %add3A_11 : vector<2000x1xf32>
    %get3A_12 = arith.constant 0 : index
    %get3A_13 = arith.constant 0 : index
    %get3A_14 = arith.constant 0 : index
    %get3A_15 = vector.load %arg3[%get3A_12, %get3A_13, %get3A_14] : memref<2x2000x128xf32, #tpu.memory_space<vmem>>, vector<1x2000x128xf32>
    %get3A_16 = vector.shape_cast %get3A_15 : vector<1x2000x128xf32> to vector<2000x128xf32>
    %get3A_17 = arith.constant 1 : index
    %get3A_18 = arith.constant 0 : index
    %get3A_19 = arith.constant 0 : index
    %get3A_20 = vector.load %arg3[%get3A_17, %get3A_18, %get3A_19] : memref<2x2000x128xf32, #tpu.memory_space<vmem>>, vector<1x2000x128xf32>
    %get3A_21 = vector.shape_cast %get3A_20 : vector<1x2000x128xf32> to vector<2000x128xf32>
    %add3A_22 = arith.addf %get3A_16, %get3A_21 : vector<2000x128xf32>
    %get3A_23 = arith.constant 0 : index
    %get3A_24 = arith.constant 0 : index
    %get3A_25 = vector.load %arg2[%get3A_23, %get3A_24] : memref<2000x128xf32, #tpu.memory_space<vmem>>, vector<2000x128xf32>
    %add3A_26 = arith.addf %add3A_22, %get3A_25 : vector<2000x128xf32>
    %mul3A = vector.broadcast %rsqrt3A : vector<2000x1xf32> to vector<2000x128xf32>
    %mul3A_27 = arith.mulf %add3A_26, %mul3A : vector<2000x128xf32>
    %get3A_28 = arith.constant 0 : index
    %get3A_29 = arith.constant 0 : index
    %get3A_30 = vector.load %arg4[%get3A_28, %get3A_29] : memref<128x512xf32, #tpu.memory_space<vmem>>, vector<128x512xf32>
    %dot_general3A = arith.constant dense<0.000000e+00> : vector<2000x512xf32>
    %dot_general3A_31 = tpu.matmul %mul3A_27, %get3A_30, %dot_general3A {dimension_numbers = #tpu.dot_dimension_numbers<[1], [0], [0], [1], [0, 0, 1, 1], [], []>, transpose_lhs_hint = false} : vector<2000x128xf32>, vector<128x512xf32>, vector<2000x512xf32> -> vector<2000x512xf32>
    %get3A_32 = arith.constant 0 : index
    %get3A_33 = arith.constant 0 : index
    %get3A_34 = vector.load %arg5[%get3A_32, %get3A_33] : memref<1x512xf32, #tpu.memory_space<vmem>>, vector<1x512xf32>
    %add3A_35 = vector.broadcast %get3A_34 : vector<1x512xf32> to vector<2000x512xf32>
    %add3A_36 = arith.addf %dot_general3A_31, %add3A_35 : vector<2000x512xf32>
    %max3A = arith.constant 0.000000e+00 : f32
    %max3A_37 = vector.broadcast %max3A : f32 to vector<2000x512xf32>
    %max3A_38 = arith.maximumf %add3A_36, %max3A_37 : vector<2000x512xf32>
    %swap3A = arith.constant 0 : index
    %swap3A_39 = arith.constant 0 : index
    %swap3A_40 = vector.load %arg8[%swap3A, %swap3A_39] : memref<2000x512xf32, #tpu.memory_space<vmem>>, vector<2000x512xf32>
    tpu.vector_store %arg8[%swap3A, %swap3A_39], %max3A_38 {strides = array<i32>} : memref<2000x512xf32, #tpu.memory_space<vmem>>, vector<2000x512xf32>,
    %get3A_41 = arith.constant 0 : index
    %get3A_42 = arith.constant 0 : index
    %get3A_43 = vector.load %arg6[%get3A_41, %get3A_42] : memref<512x128xf32, #tpu.memory_space<vmem>>, vector<512x128xf32>
    %dot_general3A_44 = arith.constant dense<0.000000e+00> : vector<2000x128xf32>
    %dot_general3A_45 = tpu.matmul %max3A_38, %get3A_43, %dot_general3A_44 {dimension_numbers = #tpu.dot_dimension_numbers<[1], [0], [0], [1], [0, 0, 1, 1], [], []>, transpose_lhs_hint = false} : vector<2000x512xf32>, vector<512x128xf32>, vector<2000x128xf32> -> vector<2000x128xf32>
    %get3A_46 = arith.constant 0 : index
    %get3A_47 = arith.constant 0 : index
    %get3A_48 = vector.load %arg7[%get3A_46, %get3A_47] : memref<1x128xf32, #tpu.memory_space<vmem>>, vector<1x128xf32>
    %add3A_49 = vector.broadcast %get3A_48 : vector<1x128xf32> to vector<2000x128xf32>
    %add3A_50 = arith.addf %dot_general3A_45, %add3A_49 : vector<2000x128xf32>
    %swap3A_51 = arith.constant 0 : index
    %swap3A_52 = arith.constant 0 : index
    %swap3A_53 = vector.load %arg9[%swap3A_51, %swap3A_52] : memref<2000x128xf32, #tpu.memory_space<vmem>>, vector<2000x128xf32>
    tpu.vector_store %arg9[%swap3A_51, %swap3A_52], %add3A_50 {strides = array<i32>} : memref<2000x128xf32, #tpu.memory_space<vmem>>, vector<2000x128xf32>,
    return
  }
  func.func @transform_0(%arg0: i32) -> (i32, i32, i32) {
    %c0_i32 = arith.constant 0 : i32
    %c0_i32_0 = arith.constant 0 : i32
    %c0_i32_1 = arith.constant 0 : i32
    return %c0_i32, %arg0, %c0_i32_0 : i32, i32, i32
  }
  func.func @transform_1(%arg0: i32) -> (i32, i32) {
    %c0_i32 = arith.constant 0 : i32
    %c0_i32_0 = arith.constant 0 : i32
    return %arg0, %c0_i32 : i32, i32
  }
  func.func @transform_2(%arg0: i32) -> (i32, i32, i32) {
    %c0_i32 = arith.constant 0 : i32
    %c0_i32_0 = arith.constant 0 : i32
    %c0_i32_1 = arith.constant 0 : i32
    return %c0_i32, %arg0, %c0_i32_0 : i32, i32, i32
  }
  func.func @transform_3(%arg0: i32) -> (i32, i32) {
    %c0_i32 = arith.constant 0 : i32
    %c0_i32_0 = arith.constant 0 : i32
    %c0_i32_1 = arith.constant 0 : i32
    return %c0_i32, %c0_i32_0 : i32, i32
  }
  func.func @transform_4(%arg0: i32) -> (i32, i32) {
    %c0_i32 = arith.constant 0 : i32
    %c0_i32_0 = arith.constant 0 : i32
    %c0_i32_1 = arith.constant 0 : i32
    return %c0_i32, %c0_i32_0 : i32, i32
  }
  func.func @transform_5(%arg0: i32) -> (i32, i32) {
    %c0_i32 = arith.constant 0 : i32
    %c0_i32_0 = arith.constant 0 : i32
    %c0_i32_1 = arith.constant 0 : i32
    return %c0_i32, %c0_i32_0 : i32, i32
  }
  func.func @transform_6(%arg0: i32) -> (i32, i32) {
    %c0_i32 = arith.constant 0 : i32
    %c0_i32_0 = arith.constant 0 : i32
    %c0_i32_1 = arith.constant 0 : i32
    return %c0_i32, %c0_i32_0 : i32, i32
  }
  func.func @transform_7(%arg0: i32) -> (i32, i32) {
    %c0_i32 = arith.constant 0 : i32
    %c0_i32_0 = arith.constant 0 : i32
    return %arg0, %c0_i32 : i32, i32
  }
  func.func @transform_8(%arg0: i32) -> (i32, i32) {
    %c0_i32 = arith.constant 0 : i32
    %c0_i32_0 = arith.constant 0 : i32
    return %arg0, %c0_i32 : i32, i32
  }
}

</mosaic_0001>

<sc_bundles>
// kernel: kernel.6.cloned.1.call-start
scs
__scs_entry_jumppad:
0x0: {  	(pc) =	sbr.rel $0x88, $3  }
0x1: {  	(tag) =	ssettag $0x0;
	lr =	simm.s32 $0x1  }
0x2: {  	[smem:$0x3F9B] =	sst lr;
	_ =	strace $0xD0000000  }
0x3: {  	_ = 	snop  }
0x4: {  	_ = 	snop  }
0x5: {  	_ = 	snop  }
0x6: {  	_ = 	snop  }
0x7: {  	_ = 	snop  }
__scs_overlays_trampoline_lowered:
0x8: {  	[smem:$0x3FAA] =	sst s0  }
0x9: {  	[smem:$0x3FAB] =	sst s1  }
0xa: {  	[smem:$0x3FAC] =	sst s2  }
0xb: {  	[smem:$0x3FAD] =	sst s3  }
0xc: {  	[smem:$0x3FAE] =	sst s4  }
0xd: {  	[smem:$0x3FAF] =	sst s5  }
0xe: {  	[smem:$0x3FB0] =	sst s6  }
0xf: {  	[smem:$0x3FB1] =	sst s7  }
0x10: {  	[smem:$0x3FB2] =	sst s8  }
0x11: {  	[smem:$0x3FB3] =	sst s9;
	s0 =	simm.s32 @!p0 $0x0  }
0x12: {  	s1 =	sld [smem:$0x3F99];
	s0 =	simm.s32 @p0 $0x1  }
0x13: {  	[smem:$0x3FB4] =	sst s0;
	s0 =	simm.s32 @!p1 $0x0  }
0x14: {  	s2 =	sld [smem:$0x3F98];
	s0 =	simm.s32 @p1 $0x1  }
0x15: {  	[smem:$0x3FB5] =	sst s0;
	s0 =	simm.s32 @!p2 $0x0  }
0x16: {  	s3 =	sld [smem:$0x3FDB];
	s0 =	simm.s32 @p2 $0x1  }
0x17: {  	s4 =	simm.s32 $0x1BF5;
	[smem:$0x3FB7] =	sst s0  }
0x18: {  	s0 =	sld [smem:$0x3F9A];
	_ =	swait.ge [sflag:s4], $0x0  }
0x19: {  	s7 =	sld [smem:$0x3F9B]  }
0x1a: {  	s8 =	sadd.s32 $0xFFFFE003, lr  }
0x1b: {  	s9 =	sadd.s32 $0xFFFFFEF7, lr;
	s5 =	simm.s32 $0xFFFFFFFF;
	p2 =	slt.u32 s8, $0xFFFFF086  }
0x1c: {  	p1 =	slt.u32 s9, $0xF7A;
	s5 =	simm.s32 @!p2 $0x0  }
0x1d: {  	s5 =	simm.s32 @p1 $0x1;
	p0 =	seq.s32 s7, s2  }
0x1e: {  	s7 =	smul.u32 @!p0 $0xF7A, s2;
	p2 =	seq.s32 @!p0 s5, $0x0  }
0x1f: {  	s9 =	smul.u32 $0xF7A, s1;
	s8 =	simm.s32 @!p0 $0x1BF5;
	p2 =	por !p2, p0  }
0x20: {  	[sflag:s8] =	ssyncset.s32 @!p0 $0xFFFFF086;
	s6 =	sadd.s32 @!p0 s3, s7;
	s7 =	simm.s32 @!p0 $0x108  }
0x21: {  	s3 =	sadd.s32 s3, s9;
	s6 =	sadd.s32 @!p0 $0x88, s6;
	s7 =	simm.s32 @p2 $0x1082  }
0x22: {  	[simem:s7], [sflag:s8] =	dma.local @!p0 [hbm:s6], $0xF7A  }
0x23: {  	s9 =	sor.u32 $0xD0000000, s2;
	s6 =	simm.s32 $0x108;
	_ =	swait.ge @!p0 [sflag:s8], $0x0  }
0x24: {  	s3 =	sadd.s32 $0x88, s3;
	s6 =	simm.s32 @!p1 $0x1082;
	[sflag:s4] =	ssyncset.s32 $0xFFFFF086  }
0x25: {  	[simem:s6], [sflag:s4] =	dma.local [hbm:s3], $0xF7A  }
0x26: {  	[smem:$0x3F9B] =	sst s1;
	(tag) =	ssettag s2;
	_ =	strace s9  }
0x27: {  	s1 =	sld [smem:$0x3FAB]  }
0x28: {  	s2 =	sld [smem:$0x3FAC]  }
0x29: {  	s4 =	sld [smem:$0x3FAE]  }
0x2a: {  	p0 =	seq.s32 s5, $0x0;
	s5 =	sld [smem:$0x3FAF]  }
0x2b: {  	s6 =	sld [smem:$0x3FB0]  }
0x2c: {  	s7 =	sld [smem:$0x3FB1]  }
0x2d: {  	s3 =	simm.s32 $0x108;
	s8 =	sld [smem:$0x3FB2]  }
0x2e: {  	s3 =	simm.s32 @!p0 $0x1082;
	s9 =	sld [smem:$0x3FB3]  }
0x2f: {  	lr =	sadd.s32 s0, s3;
	s0 =	sld [smem:$0x3FAA]  }
0x30: {  	s3 =	sld [smem:$0x3FAD]  }
0x31: {  	[smem:$0x3FB6] =	sst s10  }
0x32: {  	s10 =	sld [smem:$0x3FB4];
	_ =	sdelay $0x3  }
0x33: {  	p0 =	seq.s32 s10, $0x1;
	s10 =	sld [smem:$0x3FB6];
	_ =	sdelay $0x3  }
0x34: {  	[smem:$0x3FB6] =	sst s10  }
0x35: {  	s10 =	sld [smem:$0x3FB5];
	_ =	sdelay $0x3  }
0x36: {  	p1 =	seq.s32 s10, $0x1;
	s10 =	sld [smem:$0x3FB6];
	_ =	sdelay $0x3  }
0x37: {  	[smem:$0x3FB6] =	sst s10  }
0x38: {  	s10 =	sld [smem:$0x3FB7]  }
0x39: {  	_ = 	snop;
	(pc) =	sbr.ind lr, $3  }
0x3a: {  	_ = 	snop  }
0x3b: {  	_ = 	snop  }
0x3c: {  	p2 =	seq.s32 s10, $0x1;
	s10 =	sld [smem:$0x3FB6]  }
0x3d: {  	_ =	shalt  }
0x3e: {  	_ =	shalt  }
0x3f: {  	_ =	shalt  }
0x40: {  	_ =	shalt  }
0x41: {  	_ =	shalt  }
0x42: {  	_ =	shalt  }
0x43: {  	_ =	shalt  }
0x44: {  	_ =	shalt  }
0x45: {  	_ =	shalt  }
0x46: {  	_ =	shalt  }
0x47: {  	_ =	shalt  }
0x48: {  	_ =	shalt  }
0x49: {  	_ =	shalt  }
0x4a: {  	_ =	shalt  }
0x4b: {  	_ =	shalt  }
0x4c: {  	_ =	shalt  }
0x4d: {  	_ =	shalt  }
0x4e: {  	_ =	shalt  }
0x4f: {  	_ =	shalt  }
0x50: {  	_ =	shalt  }
0x51: {  	_ =	shalt  }
0x52: {  	_ =	shalt  }
0x53: {  	_ =	shalt  }
0x54: {  	_ =	shalt  }
0x55: {  	_ =	shalt  }
0x56: {  	_ =	shalt  }
0x57: {  	_ =	shalt  }
0x58: {  	_ =	shalt  }
0x59: {  	_ =	shalt  }
0x5a: {  	_ =	shalt  }
0x5b: {  	_ =	shalt  }
0x5c: {  	_ =	shalt  }
0x5d: {  	_ =	shalt  }
0x5e: {  	_ =	shalt  }
0x5f: {  	_ =	shalt  }
0x60: {  	_ =	shalt  }
0x61: {  	_ =	shalt  }
0x62: {  	_ =	shalt  }
0x63: {  	_ =	shalt  }
0x64: {  	_ =	shalt  }
0x65: {  	_ =	shalt  }
0x66: {  	_ =	shalt  }
0x67: {  	_ =	shalt  }
0x68: {  	_ =	shalt  }
0x69: {  	_ =	shalt  }
0x6a: {  	_ =	shalt  }
0x6b: {  	_ =	shalt  }
0x6c: {  	_ =	shalt  }
0x6d: {  	_ =	shalt  }
0x6e: {  	_ =	shalt  }
0x6f: {  	_ =	shalt  }
0x70: {  	_ =	shalt  }
0x71: {  	_ =	shalt  }
0x72: {  	_ =	shalt  }
0x73: {  	_ =	shalt  }
0x74: {  	_ =	shalt  }
0x75: {  	_ =	shalt  }
0x76: {  	_ =	shalt  }
0x77: {  	_ =	shalt  }
0x78: {  	_ =	shalt  }
0x79: {  	_ =	shalt  }
0x7a: {  	_ =	shalt  }
0x7b: {  	_ =	shalt  }
0x7c: {  	_ =	shalt  }
0x7d: {  	_ =	shalt  }
0x7e: {  	_ =	shalt  }
0x7f: {  	_ =	shalt  }
0x80: {  	_ =	shalt  }
0x81: {  	_ =	shalt  }
0x82: {  	_ =	shalt  }
0x83: {  	_ =	shalt  }
0x84: {  	_ =	shalt  }
0x85: {  	_ =	shalt  }
0x86: {  	_ =	shalt  }
0x87: {  	_ =	shalt  }
.Lfunc_end0:
.L_simem_size_0:
called_computation_lowered:
.L_overlay_start_0:
0x88: {  	s2 =	sld [smem:$0x3FD9]  }
0x89: {  	s3 =	sld [smem:$0x3FFE];
	_ =	sdelay $0x1  }
0x8a: {  	s1 =	srdreg.scid  }
0x8b: {  	s0 =	sand.u32 $0x1, s1  }
0x8c: {  	s14 =	sshll.u32 s0, $0xA;
	s2 =	sadd.s32 s3, s2  }
0x8d: {  	s2 =	sadd.s32 s2, s14  }
0x8e: {  	[smem:$0x3FC2] =	sst s2  }
0x8f: {  	_ = 	snop  }
0x90: {  	s2 =	sld [smem:$0x3FD0];
	_ =	sdelay $0x2  }
0x91: {  	s15 =	simm.s32 $0xA;
	s4 =	simm.s32 $0x10  }
0x92: {  	[smem:s4], [sflag:s15] =	dma.local [hbm:s2], $0x1  }
0x93: {  	_ =	swait.eq [sflag:s15], $0x1  }
0x94: {  	[sflag:s15] =	ssyncset.done $0x0  }
0x95: {  	[sflag:s15] =	ssyncadd.s32 $0xFFFFFFFF  }
0x96: {  	s16 =	sld [smem:$0x10];
	(tm) =	ssettm $0x1  }
0x97: {  	s17 =	sld [smem:$0x3FFB];
	_ =	sdelay $0x3  }
0x98: {  	_ =	strace s17  }
0x99: {  	s3 =	sld [smem:$0x3FFC];
	_ =	sdelay $0x3  }
0x9a: {  	_ =	strace s3  }
0x9b: {  	s3 =	sld [smem:$0x3FFD];
	_ =	sdelay $0x3  }
0x9c: {  	_ =	strace s3  }
0x9d: {  	_ =	strace $0x8FFFFFFF  }
0x9e: {  	s18 =	sld [smem:$0x3FDB];
	_ =	sdelay $0x1  }
0x9f: {  	s19 =	simm.s32 $_scs_section_size  }
0xa0: {  	s5 =	simm.s32 $_size__tile_overlayer_lowered;
	s6 =	simm.s32 $_tile_overlayer_lowered  }
0xa1: {  	s22 =	simm.s32 $0x1BFF;
	s21 =	sshll.u32 s6, $0x1;
	s3 =	sadd.s32 s19, s18  }
0xa2: {  	s7 =	simm.s32 $0x0;
	s20 =	sshll.u32 s5, $0x1;
	s5 =	sadd.s32 s21, s3  }
0xa3: {  	[timem:s7], [sflag:s22] =	dma.local [hbm:s5], s20  }
0xa4: {  	_ =	swait.ge [sflag:s22], s20  }
0xa5: {  	s4 =	ssub.s32 $0x0, s20;
	[sflag:s22] =	ssyncset.done $0x0  }
0xa6: {  	[sflag:s22] =	ssyncadd.s32 s4;
	_ =	sdelay $0x1  }
0xa7: {  	s23 =	simm.s32 $0x1B8B  }
0xa8: {  	_ =	swait.ge [sflag:s23], $0x1  }
0xa9: {  	[sflag:s23] =	ssyncset.done $0x0  }
0xaa: {  	s25 =	simm.s32 $0x1B8E;
	s24 =	sld [smem:$0x3FFE];
	[sflag:s23] =	ssyncadd.s32 $0xFFFFFFFF  }
0xab: {  	s26 =	simm.s32 $execute0_lowered;
	[smem:$0x3FD2] =	sst s25  }
0xac: {  	s5 =	sshll.u32 s26, $0x1;
	_ =	strace $0x80000046;
	[dreg:$0x1] =	wrdreg $0xFFFFFFFF  }
0xad: {  	s28 =	simm.s32 $_size_execute0_lowered;
	s3 =	sadd.s32 s3, s5;
	[dreg:$0x0] =	wrdreg $0x0  }
0xae: {  	s5 =	sshll.u32 s28, $0x1;
	[dreg:$0x2] =	wrdreg s3  }
0xaf: {  	[dreg:$0x3] =	wrdreg s5  }
0xb0: {  	[dreg:$0x4] =	wrdreg $0xC0  }
0xb1: {  	_ =	task [dreg:s7], $0x5FFFF  }
0xb2: {  	[dreg:$0x1] =	wrdreg $0xFFFFFFFF  }
0xb3: {  	[dreg:$0x0] =	wrdreg $0x60  }
0xb4: {  	[dreg:$0x2] =	wrdreg s24  }
0xb5: {  	[dreg:$0x3] =	wrdreg s16  }
0xb6: {  	[dreg:$0x4] =	wrdreg $0x82000  }
0xb7: {  	[dreg:$0x5] =	wrdreg $0x9  }
0xb8: {  	_ =	task.clear_ibuf [dreg:s7], $0x6FFFF;
	_ =	strace $0x90000046  }
0xb9: {  	s29 =	simm.s32 $0x9;
	_ =	strace $0x80000048  }
0xba: {  	_ =	swait.ge [sflag:s29], $0x1  }
0xbb: {  	[sflag:s29] =	ssyncadd.s32 $0xFFFFFFFF  }
0xbc: {  	_ =	strace $0x90000048  }
0xbd: {  	_ =	sfence  }
0xbe: {  	s30 =	sld [smem:$0x0];
	_ =	sdelay $0x2  }
0xbf: {  	s31 =	sshll.u32 s1, $0xD;
	s1 =	sshrl.u32 s1, $0x2  }
0xc0: {  	s3 =	sand.u32 $0x4000, s31;
	s1 =	sadd.s32 s1, s30  }
0xc1: {  	s0 =	sor.u32 s3, s0;
	s1 =	sshll.u32 s1, $0x11  }
0xc2: {  	s0 =	sor.u32 s1, s0  }
0xc3: {  	s0 =	sadd.s32 $0x8F2B, s0  }
0xc4: {  	[sflag:s0] =	ssyncadd.remote.s32 $0x1  }
0xc5: {  	_ =	sfence.sel $0xFFFF  }
0xc6: {  	[dreg:$0x0] =	wrdreg $0xFFFFFFFF;
	(pc) =	sbr.abs _section_cstart, $3  }
0xc7: {  	[dreg:$0x1] =	wrdreg $0xFFFFFFFF  }
0xc8: {  	_ =	task.clear_ibuf [dreg:s7], $0x2FFFF;
	_ =	strace $0x9FFFFFFF  }
0xc9: {  	(tm) =	ssettm $0x7FFFFFFF  }
tec
execute0_lowered:
.L_overlay_start_1:
0x0: {  	(tag) =	ssettag $0x1  }
0x1: {  	s1 =	rddreg [dreg:$0x0]  }
0x2: {  	s0 =	srdreg.scid;
	s6 =	rddreg [dreg:$0x1]  }
0x3: {  	s9 =	stileid.u32;
	s2 =	rddreg [dreg:$0x2];
	s28 =	simm.s32 $0x1  }
0x4: {  	s29 =	simm.s32 $0x200;
	s30 =	simm.s32 $0x180;
	s31 =	simm.s32 $0x2  }
0x5: {  	s10 =	simm.s32 $0x0;
	s0 =	sand.u32 $0x1, s0;
	s7 =	smul.u32 $0x50000, s9  }
0x6: {  	s1 =	sadd.s32 $0x2000, s1;
	s19 =	smul.u32 $0x2800, s9;
	s3 =	sshll.u32 s0, $0x4  }
0x7: {  	s5 =	ssub.s32 $0x2, s0;
	s0 =	smul.u32 $0x28000, s0;
	s4 =	sor.u32 s9, s3  }
0x8: {  	s3 =	simm.s32 $0x0;
	s8 =	sshrl.u32 s5, $0x1;
	s16 =	sshrl.u32 s7, $0x2  }
0x9: {  	s9 =	simm.s32 $0x8;
	s4 =	smul.u32 $0x2800, s4;
	[smem:$0x7FF] =	sst s3  }
0xa: {  	s8 =	ssub.s32 s5, s8;
	s0 =	sadd.s32 s19, s0;
	_ =	strace $0x80000047  }
0xb: {  	s6 =	sadd.s32 s6, s0;
	s14 =	smax.u32 s8, $0x1;
	s25 =	sor.u32 $0x400, s0  }
0xc: {  	s26 =	sor.u32 $0x380, s0;
	s8 =	simm.s32 $0x7;
	s17 =	sshrl.u32 s4, $0x3  }
0xd: {  	s4 =	sadd.s32 s16, s2;
	[dreg:$0xb] =	wrdreg s6;
	s5 =	sadd.s32 s1, s17  }
0xe: {  	s6 =	sshrl.u32 s25, $0x3;
	s25 =	simm.s32 $0x80;
	s7 =	sadd.s32 $0x10, s5  }
0xf: {  	s15 =	sadd.s32 $0x4000, s4;
	s18 =	sadd.s32 $0x20, s5;
	[dreg:$0x4] =	wrdreg s7  }
0x10: {  	s16 =	sadd.s32 $0x8000, s4;
	s20 =	sadd.s32 $0x30, s5;
	[dreg:$0x5] =	wrdreg s18  }
0x11: {  	s17 =	sadd.s32 $0xC000, s4;
	s21 =	sadd.s32 $0x40, s5;
	[dreg:$0x6] =	wrdreg s20  }
0x12: {  	s19 =	sadd.s32 s6, s1;
	s22 =	sadd.s32 $0x4D0, s5;
	[dreg:$0x7] =	wrdreg s21  }
0x13: {  	s6 =	sshrl.u32 s26, $0x3;
	s23 =	sadd.s32 $0x4E0, s5;
	[dreg:$0x8] =	wrdreg s22  }
0x14: {  	s26 =	simm.s32 $0x100;
	s24 =	sadd.s32 $0x4F0, s5;
	[dreg:$0x9] =	wrdreg s23  }
0x15: {  	[dreg:$0xa] =	wrdreg s24;
	s18 =	sadd.s32 $0x10000, s4;
	s7 =	sor.u32 $0x300, s0  }
0x16: {  	s0 =	sor.u32 $0x280, s0;
	s20 =	sadd.s32 s6, s1;
	s23 =	simm.s32 $0x4200  }
0x17: {  	s24 =	simm.s32 $0x9;
	s7 =	sshrl.u32 s7, $0x3;
	s0 =	sshrl.u32 s0, $0x3  }
0x18: {  	s6 =	simm.s32 $0x5;
	s21 =	sadd.s32 s7, s1;
	s22 =	sadd.s32 s0, s1  }
0x19: {  	v0 =	vimm.f32 $1.000000000e+00;
	v1 =	vimm.f32 $0.0e+00;
	s1 =	simm.s32 $0x3;
	s0 =	simm.s32 $0x4;
	s7 =	simm.s32 $0x6  }
.LBB2_1:
0x1a: {  	s11 =	simm.s32 $0x0;
	s12 =	simm.s32 $0x200  }
.LBB2_2:
0x1b: {  	p0 =	sne.s32 s12, $0xFE00;
	[tilespmem:s11+$0x4270] =	vst v1  }
0x1c: {  	[tilespmem:s11+$0x200] =	vst v0  }
0x1d: {  	[tilespmem:s11+$0x4200] =	vst v1  }
0x1e: {  	[tilespmem:s11+$0x210] =	vst v0  }
0x1f: {  	[tilespmem:s11+$0x4210] =	vst v1  }
0x20: {  	[tilespmem:s11+$0x220] =	vst v0  }
0x21: {  	[tilespmem:s11+$0x4220] =	vst v1  }
0x22: {  	[tilespmem:s11+$0x230] =	vst v0  }
0x23: {  	[tilespmem:s11+$0x4230] =	vst v1  }
0x24: {  	[tilespmem:s11+$0x240] =	vst v0  }
0x25: {  	[tilespmem:s11+$0x4240] =	vst v1  }
.Ltmp0:
0x26: {  	[tilespmem:s11+$0x250] =	vst v0;
	(pc) =	sbr.rel @p0 .LBB2_2-.Ltmp0, $4  }
0x27: {  	[tilespmem:s11+$0x4250] =	vst v1  }
0x28: {  	[tilespmem:s11+$0x260] =	vst v0  }
0x29: {  	[tilespmem:s11+$0x4260] =	vst v1  }
0x2a: {  	[tilespmem:s11+$0x270] =	vst v0;
	s11 =	sshra.s32 s12, $0x2;
	s12 =	sadd.s32 $0x200, s12  }
0x2b: {  	[tilespmem:s11+$0x4270] =	vst v1  }
0x2c: {  	[tilespmem:s11+$0x200] =	vst v0  }
0x2d: {  	[tilespmem:s11+$0x4200] =	vst v1  }
0x2e: {  	[tilespmem:s11+$0x210] =	vst v0  }
0x2f: {  	[tilespmem:s11+$0x4210] =	vst v1  }
0x30: {  	[tilespmem:s11+$0x220] =	vst v0  }
0x31: {  	[tilespmem:s11+$0x4220] =	vst v1  }
0x32: {  	[tilespmem:s11+$0x230] =	vst v0  }
0x33: {  	[tilespmem:s11+$0x4230] =	vst v1  }
0x34: {  	[tilespmem:s11+$0x240] =	vst v0  }
0x35: {  	[tilespmem:s11+$0x4240] =	vst v1  }
0x36: {  	[tilespmem:s11+$0x250] =	vst v0  }
0x37: {  	[tilespmem:s11+$0x4250] =	vst v1  }
0x38: {  	[tilespmem:s11+$0x260] =	vst v0  }
0x39: {  	[tilespmem:s11+$0x4260] =	vst v1  }
0x3a: {  	[tilespmem:s11+$0x270] =	vst v0  }
0x3b: {  	[spmem:s4] =	stream.linear.scatter [tilespmem:s23], [sflag:$0x9], $0x4000, $0x38;
	[tilespmem:$0x1C200] =	vst v63  }
0x3c: {  	_ =	swait.ge [sflag:s24], $0x4000  }
0x3d: {  	[sflag:s24] =	ssyncset.done $0x0  }
0x3e: {  	[sflag:s24] =	ssyncadd.s32 $0xFFFFC000  }
0x3f: {  	[spmem:s15] =	stream.linear.scatter [tilespmem:s23], [sflag:$0x9], $0x4000, $0x38;
	[tilespmem:$0x1C200] =	vst v63  }
0x40: {  	_ =	swait.ge [sflag:s24], $0x4000  }
0x41: {  	[sflag:s24] =	ssyncset.done $0x0  }
0x42: {  	[sflag:s24] =	ssyncadd.s32 $0xFFFFC000  }
0x43: {  	[spmem:s16] =	stream.linear.scatter [tilespmem:s23], [sflag:$0x9], $0x4000, $0x38;
	[tilespmem:$0x1C200] =	vst v63  }
0x44: {  	_ =	swait.ge [sflag:s24], $0x4000  }
0x45: {  	[sflag:s24] =	ssyncset.done $0x0  }
0x46: {  	[sflag:s24] =	ssyncadd.s32 $0xFFFFC000  }
0x47: {  	[spmem:s17] =	stream.linear.scatter [tilespmem:s23], [sflag:$0x9], $0x4000, $0x38;
	[tilespmem:$0x1C200] =	vst v63  }
0x48: {  	_ =	swait.ge [sflag:s24], $0x4000  }
0x49: {  	[sflag:s24] =	ssyncset.done $0x0  }
0x4a: {  	[sflag:s24] =	ssyncadd.s32 $0xFFFFC000  }
0x4b: {  	[spmem:s18] =	stream.linear.scatter [tilespmem:s23], [sflag:$0x9], $0x4000, $0x38;
	[tilespmem:$0x1C200] =	vst v63  }
0x4c: {  	_ =	swait.ge [sflag:s24], $0x4000  }
0x4d: {  	[sflag:s24] =	ssyncset.done $0x0  }
0x4e: {  	[sflag:s24] =	ssyncadd.s32 $0xFFFFC000  }
0x4f: {  	s11 =	simm.s32 $0x0;
	[bflag:$0x0] =	sbarrier.arrive $0xFFFF  }
0x50: {  	[tilespmem:s11], [sflag:$0x1] =	stream.linear.gather [hbm4b:s5+s11], $0x80, $0x38;
	[tilespmem:$0x1C200] =	vst v63  }
0x51: {  	s12 =	rddreg [dreg:$0x4]  }
0x52: {  	[tilespmem:s25], [sflag:$0x2] =	stream.linear.gather [hbm4b:s12+s11], $0x80, $0x38;
	[tilespmem:$0x1C200] =	vst v63  }
0x53: {  	s13 =	rddreg [dreg:$0x5]  }
0x54: {  	[tilespmem:s26], [sflag:$0x3] =	stream.linear.gather [hbm4b:s13+s11], $0x80, $0x38;
	[tilespmem:$0x1C200] =	vst v63  }
0x55: {  	_ =	swait.ge [sflag:s28], $0x80  }
0x56: {  	[sflag:s28] =	ssyncset.done $0x0  }
0x57: {  	[sflag:s28] =	ssyncadd.s32 $0xFFFFFF80  }
0x58: {  	[spmem:s2] =	stream.indirect.scatter.add.f32 [tilespmem:s29], [sflag:$0x5], $0x80, s11, s25, $0xb8;
	[tilespmem:$0x1C200] =	vst v63  }
0x59: {  	s13 =	rddreg [dreg:$0x6]  }
0x5a: {  	[tilespmem:s30], [sflag:$0x4] =	stream.linear.gather [hbm4b:s13+s11], $0x80, $0x38;
	[tilespmem:$0x1C200] =	vst v63  }
0x5b: {  	_ =	swait.ge [sflag:s31], $0x80  }
0x5c: {  	[sflag:s31] =	ssyncset.done $0x0  }
0x5d: {  	[sflag:s31] =	ssyncadd.s32 $0xFFFFFF80  }
0x5e: {  	[spmem:s2] =	stream.indirect.scatter.add.f32 [tilespmem:s29], [sflag:$0x6], $0x80, s25, s25, $0xb8;
	[tilespmem:$0x1C200] =	vst v63  }
0x5f: {  	_ =	swait.ge [sflag:s1], $0x80  }
0x60: {  	[sflag:s1] =	ssyncset.done $0x0  }
0x61: {  	[sflag:s1] =	ssyncadd.s32 $0xFFFFFF80  }
0x62: {  	[spmem:s2] =	stream.indirect.scatter.add.f32 [tilespmem:s29], [sflag:$0x7], $0x80, s26, s25, $0xb8;
	[tilespmem:$0x1C200] =	vst v63  }
0x63: {  	_ =	swait.ge [sflag:s0], $0x80  }
0x64: {  	[sflag:s0] =	ssyncset.done $0x0  }
0x65: {  	[sflag:s0] =	ssyncadd.s32 $0xFFFFFF80  }
0x66: {  	[spmem:s2] =	stream.indirect.scatter.add.f32 [tilespmem:s29], [sflag:$0x8], $0x80, s30, s25, $0xb8;
	[tilespmem:$0x1C200] =	vst v63  }
0x67: {  	_ =	swait.ge [sflag:s6], $0x4000  }
0x68: {  	[sflag:s6] =	ssyncset.done $0x0  }
0x69: {  	s13 =	rddreg [dreg:$0x7];
	[sflag:s6] =	ssyncadd.s32 $0xFFFFC000  }
0x6a: {  	[tilespmem:s11], [sflag:$0x1] =	stream.linear.gather [hbm4b:s13+s11], $0x80, $0x38;
	[tilespmem:$0x1C200] =	vst v63  }
0x6b: {  	_ =	swait.ge [sflag:s28], $0x80  }
0x6c: {  	[sflag:s28] =	ssyncset.done $0x0  }
0x6d: {  	[sflag:s28] =	ssyncadd.s32 $0xFFFFFF80  }
0x6e: {  	[spmem:s2] =	stream.indirect.scatter.add.f32 [tilespmem:s29], [sflag:$0x5], $0x80, s3, s25, $0xb8;
	[tilespmem:$0x1C200] =	vst v63  }
0x6f: {  	_ =	swait.ge [sflag:s7], $0x4000  }
0x70: {  	[sflag:s7] =	ssyncset.done $0x0  }
0x71: {  	s13 =	sadd.s32 $0x0, s22;
	[sflag:s7] =	ssyncadd.s32 $0xFFFFC000  }
0x72: {  	[tilespmem:s25], [sflag:$0x2] =	stream.linear.gather [hbm4b:s13+s3], $0x80, $0x38;
	[tilespmem:$0x1C200] =	vst v63  }
0x73: {  	_ =	swait.ge [sflag:s31], $0x80  }
0x74: {  	[sflag:s31] =	ssyncset.done $0x0  }
0x75: {  	[sflag:s31] =	ssyncadd.s32 $0xFFFFFF80  }
0x76: {  	[spmem:s2] =	stream.indirect.scatter.add.f32 [tilespmem:s29], [sflag:$0x6], $0x80, s25, s25, $0xb8;
	[tilespmem:$0x1C200] =	vst v63  }
0x77: {  	_ =	swait.ge [sflag:s8], $0x4000  }
0x78: {  	[sflag:s8] =	ssyncset.done $0x0  }
0x79: {  	s12 =	sadd.s32 $0x0, s21;
	[sflag:s8] =	ssyncadd.s32 $0xFFFFC000  }
0x7a: {  	[tilespmem:s26], [sflag:$0x3] =	stream.linear.gather [hbm4b:s12+s3], $0x80, $0x38;
	[tilespmem:$0x1C200] =	vst v63  }
0x7b: {  	_ =	swait.ge [sflag:s1], $0x80  }
0x7c: {  	[sflag:s1] =	ssyncset.done $0x0  }
0x7d: {  	[sflag:s1] =	ssyncadd.s32 $0xFFFFFF80  }
0x7e: {  	[spmem:s2] =	stream.indirect.scatter.add.f32 [tilespmem:s29], [sflag:$0x7], $0x80, s26, s25, $0xb8;
	[tilespmem:$0x1C200] =	vst v63  }
0x7f: {  	_ =	swait.ge [sflag:s9], $0x4000  }
0x80: {  	[sflag:s9] =	ssyncset.done $0x0  }
0x81: {  	s13 =	sadd.s32 $0x0, s20;
	[sflag:s9] =	ssyncadd.s32 $0xFFFFC000  }
0x82: {  	[tilespmem:s30], [sflag:$0x4] =	stream.linear.gather [hbm4b:s13+s3], $0x80, $0x38;
	[tilespmem:$0x1C200] =	vst v63  }
0x83: {  	_ =	swait.ge [sflag:s0], $0x80  }
0x84: {  	[sflag:s0] =	ssyncset.done $0x0  }
0x85: {  	[sflag:s0] =	ssyncadd.s32 $0xFFFFFF80  }
0x86: {  	[spmem:s2] =	stream.indirect.scatter.add.f32 [tilespmem:s29], [sflag:$0x8], $0x80, s30, s25, $0xb8;
	[tilespmem:$0x1C200] =	vst v63  }
0x87: {  	_ =	swait.ge [sflag:s6], $0x4000  }
0x88: {  	[sflag:s6] =	ssyncset.done $0x0  }
0x89: {  	s11 =	simm.s32 $0x40;
	s12 =	sadd.s32 $0x0, s19;
	[sflag:s6] =	ssyncadd.s32 $0xFFFFC000  }
.LBB2_4:
0x8a: {  	[tilespmem:s3], [sflag:$0x1] =	stream.linear.gather [hbm4b:s12+s3], $0x80, $0x38;
	[tilespmem:$0x1C200] =	vst v63  }
0x8b: {  	s12 =	smov.u32 s11  }
0x8c: {  	p0 =	sne.s32 s11, $0x440;
	s11 =	sadd.s32 $0x40, s11;
	_ =	swait.ge [sflag:s28], $0x80  }
0x8d: {  	[sflag:s28] =	ssyncset.done $0x0  }
0x8e: {  	[sflag:s28] =	ssyncadd.s32 $0xFFFFFF80  }
0x8f: {  	[spmem:s2] =	stream.indirect.scatter.add.f32 [tilespmem:s29], [sflag:$0x5], $0x80, s3, s25, $0xb8;
	[tilespmem:$0x1C200] =	vst v63  }
0x90: {  	_ =	swait.ge [sflag:s7], $0x4000  }
0x91: {  	[sflag:s7] =	ssyncset.done $0x0  }
0x92: {  	s13 =	sadd.s32 s12, s22;
	[sflag:s7] =	ssyncadd.s32 $0xFFFFC000  }
0x93: {  	[tilespmem:s25], [sflag:$0x2] =	stream.linear.gather [hbm4b:s13+s3], $0x80, $0x38;
	[tilespmem:$0x1C200] =	vst v63  }
0x94: {  	_ =	swait.ge [sflag:s31], $0x80  }
0x95: {  	[sflag:s31] =	ssyncset.done $0x0  }
0x96: {  	[sflag:s31] =	ssyncadd.s32 $0xFFFFFF80  }
0x97: {  	[spmem:s2] =	stream.indirect.scatter.add.f32 [tilespmem:s29], [sflag:$0x6], $0x80, s25, s25, $0xb8;
	[tilespmem:$0x1C200] =	vst v63  }
0x98: {  	_ =	swait.ge [sflag:s8], $0x4000  }
0x99: {  	[sflag:s8] =	ssyncset.done $0x0  }
0x9a: {  	s13 =	sadd.s32 s12, s21;
	[sflag:s8] =	ssyncadd.s32 $0xFFFFC000  }
0x9b: {  	[tilespmem:s26], [sflag:$0x3] =	stream.linear.gather [hbm4b:s13+s3], $0x80, $0x38;
	[tilespmem:$0x1C200] =	vst v63  }
0x9c: {  	_ =	swait.ge [sflag:s1], $0x80  }
0x9d: {  	[sflag:s1] =	ssyncset.done $0x0  }
0x9e: {  	[sflag:s1] =	ssyncadd.s32 $0xFFFFFF80  }
0x9f: {  	[spmem:s2] =	stream.indirect.scatter.add.f32 [tilespmem:s29], [sflag:$0x7], $0x80, s26, s25, $0xb8;
	[tilespmem:$0x1C200] =	vst v63  }
0xa0: {  	_ =	swait.ge [sflag:s9], $0x4000  }
0xa1: {  	[sflag:s9] =	ssyncset.done $0x0  }
0xa2: {  	s13 =	sadd.s32 s12, s20;
	[sflag:s9] =	ssyncadd.s32 $0xFFFFC000  }
0xa3: {  	[tilespmem:s30], [sflag:$0x4] =	stream.linear.gather [hbm4b:s13+s3], $0x80, $0x38;
	[tilespmem:$0x1C200] =	vst v63  }
0xa4: {  	_ =	swait.ge [sflag:s0], $0x80  }
0xa5: {  	[sflag:s0] =	ssyncset.done $0x0  }
.Ltmp1:
0xa6: {  	[sflag:s0] =	ssyncadd.s32 $0xFFFFFF80;
	(pc) =	sbr.rel @p0 .LBB2_4-.Ltmp1, $4  }
0xa7: {  	[spmem:s2] =	stream.indirect.scatter.add.f32 [tilespmem:s29], [sflag:$0x8], $0x80, s30, s25, $0xb8;
	[tilespmem:$0x1C200] =	vst v63  }
0xa8: {  	_ =	swait.ge [sflag:s6], $0x4000  }
0xa9: {  	[sflag:s6] =	ssyncset.done $0x0  }
0xaa: {  	s12 =	sadd.s32 s12, s19;
	[sflag:s6] =	ssyncadd.s32 $0xFFFFC000  }
0xab: {  	[tilespmem:s3], [sflag:$0x1] =	stream.linear.gather [hbm4b:s12+s3], $0x80, $0x38;
	[tilespmem:$0x1C200] =	vst v63  }
0xac: {  	_ =	swait.ge [sflag:s28], $0x80  }
0xad: {  	[sflag:s28] =	ssyncset.done $0x0  }
0xae: {  	[sflag:s28] =	ssyncadd.s32 $0xFFFFFF80  }
0xaf: {  	[spmem:s2] =	stream.indirect.scatter.add.f32 [tilespmem:s29], [sflag:$0x5], $0x80, s3, s25, $0xb8;
	[tilespmem:$0x1C200] =	vst v63  }
0xb0: {  	_ =	swait.ge [sflag:s7], $0x4000  }
0xb1: {  	[sflag:s7] =	ssyncset.done $0x0  }
0xb2: {  	s11 =	rddreg [dreg:$0x8];
	[sflag:s7] =	ssyncadd.s32 $0xFFFFC000  }
0xb3: {  	[tilespmem:s25], [sflag:$0x2] =	stream.linear.gather [hbm4b:s11+s3], $0x80, $0x38;
	[tilespmem:$0x1C200] =	vst v63  }
0xb4: {  	_ =	swait.ge [sflag:s31], $0x80  }
0xb5: {  	[sflag:s31] =	ssyncset.done $0x0  }
0xb6: {  	[sflag:s31] =	ssyncadd.s32 $0xFFFFFF80  }
0xb7: {  	[spmem:s2] =	stream.indirect.scatter.add.f32 [tilespmem:s29], [sflag:$0x6], $0x80, s25, s25, $0xb8;
	[tilespmem:$0x1C200] =	vst v63  }
0xb8: {  	_ =	swait.ge [sflag:s8], $0x4000  }
0xb9: {  	[sflag:s8] =	ssyncset.done $0x0  }
0xba: {  	s13 =	rddreg [dreg:$0x9];
	[sflag:s8] =	ssyncadd.s32 $0xFFFFC000  }
0xbb: {  	[tilespmem:s26], [sflag:$0x3] =	stream.linear.gather [hbm4b:s13+s3], $0x80, $0x38;
	[tilespmem:$0x1C200] =	vst v63  }
0xbc: {  	_ =	swait.ge [sflag:s1], $0x80  }
0xbd: {  	[sflag:s1] =	ssyncset.done $0x0  }
0xbe: {  	[sflag:s1] =	ssyncadd.s32 $0xFFFFFF80  }
0xbf: {  	[spmem:s2] =	stream.indirect.scatter.add.f32 [tilespmem:s29], [sflag:$0x7], $0x80, s26, s25, $0xb8;
	[tilespmem:$0x1C200] =	vst v63  }
0xc0: {  	_ =	swait.ge [sflag:s9], $0x4000  }
0xc1: {  	[sflag:s9] =	ssyncset.done $0x0  }
0xc2: {  	s12 =	rddreg [dreg:$0xa];
	[sflag:s9] =	ssyncadd.s32 $0xFFFFC000  }
0xc3: {  	[tilespmem:s30], [sflag:$0x4] =	stream.linear.gather [hbm4b:s12+s3], $0x80, $0x38;
	[tilespmem:$0x1C200] =	vst v63  }
0xc4: {  	_ =	swait.ge [sflag:s0], $0x80  }
0xc5: {  	[sflag:s0] =	ssyncset.done $0x0  }
0xc6: {  	[sflag:s0] =	ssyncadd.s32 $0xFFFFFF80  }
0xc7: {  	[spmem:s2] =	stream.indirect.scatter.add.f32 [tilespmem:s29], [sflag:$0x8], $0x80, s30, s25, $0xb8;
	[tilespmem:$0x1C200] =	vst v63  }
0xc8: {  	_ =	swait.ge [sflag:s6], $0x4000  }
0xc9: {  	[sflag:s6] =	ssyncset.done $0x0  }
0xca: {  	[sflag:s6] =	ssyncadd.s32 $0xFFFFC000  }
0xcb: {  	_ =	swait.ge [sflag:s7], $0x4000  }
0xcc: {  	[sflag:s7] =	ssyncset.done $0x0  }
0xcd: {  	[sflag:s7] =	ssyncadd.s32 $0xFFFFC000  }
0xce: {  	_ =	swait.ge [sflag:s8], $0x4000  }
0xcf: {  	[sflag:s8] =	ssyncset.done $0x0  }
0xd0: {  	[sflag:s8] =	ssyncadd.s32 $0xFFFFC000  }
0xd1: {  	_ =	swait.ge [sflag:s9], $0x4000  }
0xd2: {  	s13 =	stileid.u32;
	[sflag:s9] =	ssyncset.done $0x0  }
0xd3: {  	s10 =	sadd.s32 $0x1, s10;
	s11 =	sshll.u32 s13, $0x6;
	[sflag:s9] =	ssyncadd.s32 $0xFFFFC000  }
0xd4: {  	p0 =	sne.s32 s10, s14;
	s11 =	sor.u32 $0x1C09, s11;
	[bflag:$0x0] =	sbarrier.arrive $0xFFFF  }
.Ltmp2:
0xd5: {  	s12 =	sshrl.u32 s4, $0x3;
	s13 =	rddreg [dreg:$0xb];
	(pc) =	sbr.rel @p0 .LBB2_1-.Ltmp2, $4  }
0xd6: {  	[hbm:s13], [sflag:s11] =	dma.local [spmem:s12], $0x2800  }
0xd7: {  	_ =	swait.ge [sflag:s24], $0x2800  }
0xd8: {  	[sflag:s24] =	ssyncset.done $0x0  }
0xd9: {  	[sflag:s24] =	ssyncadd.s32 $0xFFFFD800  }
0xda: {  	_ =	sfence.sel $0x180000  }
0xdb: {  	[bflag:$0x0] =	sbarrier.arrive $0xFFFF  }
0xdc: {  	_ =	strace $0x90000047  }
0xdd: {  	s0 =	stileid.u32;
	[bflag:$0x2] =	sbarrier.arrive $0xFFFF  }
0xde: {  	p0 =	sne.s32 s0, $0x0;
	s0 =	rddreg [dreg:$0x3]  }
0xdf: {  	s0 =	sadd.s32 @!p0 $0x100000, s0  }
0xe0: {  	[sflag:s0] =	ssyncadd.tile.s32 @!p0 $0x1;
	_ =	shalt  }
.Lfunc_end2:
_tile_overlayer_lowered:
.L_overlay_start_2:
0xe1: {  	(tag) =	ssettag $0x2  }
0xe2: {  	s0 =	rddreg [dreg:$0x0];
	s2 =	stileid.u32  }
0xe3: {  	s1 =	rddreg [dreg:$0x1];
	p0 =	sne.s32 s2, $0x0  }
0xe4: {  	s3 =	rddreg [dreg:$0x2];
	[bflag:$0x3] =	sbarrier.arrive $0xFFFF;
	s2 =	simm.s32 @!p0 $0x1C09  }
0xe5: {  	[timem:s3], [sflag:s2] =	dma.local @!p0 [hbm:s0], s1  }
0xe6: {  	s0 =	simm.s32 @!p0 $0x9  }
0xe7: {  	_ =	swait.ge @!p0 [sflag:s0], s1  }
0xe8: {  	s1 =	ssub.s32 @!p0 $0x0, s1;
	[sflag:s0] =	ssyncset.done @!p0 $0x0  }
0xe9: {  	[sflag:s0] =	ssyncadd.s32 @!p0 s1  }
0xea: {  	[bflag:$0x3] =	sbarrier.arrive $0xFFFF  }
0xeb: {  	_ =	shalt  }

// kernel: kernel.9.cloned.1.call-start
scs
__scs_entry_jumppad:
0x0: {  	(pc) =	sbr.rel $0x88, $3  }
0x1: {  	(tag) =	ssettag $0x0;
	lr =	simm.s32 $0x1  }
0x2: {  	[smem:$0x3F9B] =	sst lr;
	_ =	strace $0xD0000000  }
0x3: {  	_ = 	snop  }
0x4: {  	_ = 	snop  }
0x5: {  	_ = 	snop  }
0x6: {  	_ = 	snop  }
0x7: {  	_ = 	snop  }
__scs_overlays_trampoline_lowered:
0x8: {  	[smem:$0x3FAA] =	sst s0  }
0x9: {  	[smem:$0x3FAB] =	sst s1  }
0xa: {  	[smem:$0x3FAC] =	sst s2  }
0xb: {  	[smem:$0x3FAD] =	sst s3  }
0xc: {  	[smem:$0x3FAE] =	sst s4  }
0xd: {  	[smem:$0x3FAF] =	sst s5  }
0xe: {  	[smem:$0x3FB0] =	sst s6  }
0xf: {  	[smem:$0x3FB1] =	sst s7  }
0x10: {  	[smem:$0x3FB2] =	sst s8  }
0x11: {  	[smem:$0x3FB3] =	sst s9;
	s0 =	simm.s32 @!p0 $0x0  }
0x12: {  	s1 =	sld [smem:$0x3F99];
	s0 =	simm.s32 @p0 $0x1  }
0x13: {  	[smem:$0x3FB4] =	sst s0;
	s0 =	simm.s32 @!p1 $0x0  }
0x14: {  	s2 =	sld [smem:$0x3F98];
	s0 =	simm.s32 @p1 $0x1  }
0x15: {  	[smem:$0x3FB5] =	sst s0;
	s0 =	simm.s32 @!p2 $0x0  }
0x16: {  	s3 =	sld [smem:$0x3FDB];
	s0 =	simm.s32 @p2 $0x1  }
0x17: {  	s4 =	simm.s32 $0x1BF5;
	[smem:$0x3FB7] =	sst s0  }
0x18: {  	s0 =	sld [smem:$0x3F9A];
	_ =	swait.ge [sflag:s4], $0x0  }
0x19: {  	s7 =	sld [smem:$0x3F9B]  }
0x1a: {  	s8 =	sadd.s32 $0xFFFFE003, lr  }
0x1b: {  	s9 =	sadd.s32 $0xFFFFFEF7, lr;
	s5 =	simm.s32 $0xFFFFFFFF;
	p2 =	slt.u32 s8, $0xFFFFF086  }
0x1c: {  	p1 =	slt.u32 s9, $0xF7A;
	s5 =	simm.s32 @!p2 $0x0  }
0x1d: {  	s5 =	simm.s32 @p1 $0x1;
	p0 =	seq.s32 s7, s2  }
0x1e: {  	s7 =	smul.u32 @!p0 $0xF7A, s2;
	p2 =	seq.s32 @!p0 s5, $0x0  }
0x1f: {  	s9 =	smul.u32 $0xF7A, s1;
	s8 =	simm.s32 @!p0 $0x1BF5;
	p2 =	por !p2, p0  }
0x20: {  	[sflag:s8] =	ssyncset.s32 @!p0 $0xFFFFF086;
	s6 =	sadd.s32 @!p0 s3, s7;
	s7 =	simm.s32 @!p0 $0x108  }
0x21: {  	s3 =	sadd.s32 s3, s9;
	s6 =	sadd.s32 @!p0 $0x88, s6;
	s7 =	simm.s32 @p2 $0x1082  }
0x22: {  	[simem:s7], [sflag:s8] =	dma.local @!p0 [hbm:s6], $0xF7A  }
0x23: {  	s9 =	sor.u32 $0xD0000000, s2;
	s6 =	simm.s32 $0x108;
	_ =	swait.ge @!p0 [sflag:s8], $0x0  }
0x24: {  	s3 =	sadd.s32 $0x88, s3;
	s6 =	simm.s32 @!p1 $0x1082;
	[sflag:s4] =	ssyncset.s32 $0xFFFFF086  }
0x25: {  	[simem:s6], [sflag:s4] =	dma.local [hbm:s3], $0xF7A  }
0x26: {  	[smem:$0x3F9B] =	sst s1;
	(tag) =	ssettag s2;
	_ =	strace s9  }
0x27: {  	s1 =	sld [smem:$0x3FAB]  }
0x28: {  	s2 =	sld [smem:$0x3FAC]  }
0x29: {  	s4 =	sld [smem:$0x3FAE]  }
0x2a: {  	p0 =	seq.s32 s5, $0x0;
	s5 =	sld [smem:$0x3FAF]  }
0x2b: {  	s6 =	sld [smem:$0x3FB0]  }
0x2c: {  	s7 =	sld [smem:$0x3FB1]  }
0x2d: {  	s3 =	simm.s32 $0x108;
	s8 =	sld [smem:$0x3FB2]  }
0x2e: {  	s3 =	simm.s32 @!p0 $0x1082;
	s9 =	sld [smem:$0x3FB3]  }
0x2f: {  	lr =	sadd.s32 s0, s3;
	s0 =	sld [smem:$0x3FAA]  }
0x30: {  	s3 =	sld [smem:$0x3FAD]  }
0x31: {  	[smem:$0x3FB6] =	sst s10  }
0x32: {  	s10 =	sld [smem:$0x3FB4];
	_ =	sdelay $0x3  }
0x33: {  	p0 =	seq.s32 s10, $0x1;
	s10 =	sld [smem:$0x3FB6];
	_ =	sdelay $0x3  }
0x34: {  	[smem:$0x3FB6] =	sst s10  }
0x35: {  	s10 =	sld [smem:$0x3FB5];
	_ =	sdelay $0x3  }
0x36: {  	p1 =	seq.s32 s10, $0x1;
	s10 =	sld [smem:$0x3FB6];
	_ =	sdelay $0x3  }
0x37: {  	[smem:$0x3FB6] =	sst s10  }
0x38: {  	s10 =	sld [smem:$0x3FB7]  }
0x39: {  	_ = 	snop;
	(pc) =	sbr.ind lr, $3  }
0x3a: {  	_ = 	snop  }
0x3b: {  	_ = 	snop  }
0x3c: {  	p2 =	seq.s32 s10, $0x1;
	s10 =	sld [smem:$0x3FB6]  }
0x3d: {  	_ =	shalt  }
0x3e: {  	_ =	shalt  }
0x3f: {  	_ =	shalt  }
0x40: {  	_ =	shalt  }
0x41: {  	_ =	shalt  }
0x42: {  	_ =	shalt  }
0x43: {  	_ =	shalt  }
0x44: {  	_ =	shalt  }
0x45: {  	_ =	shalt  }
0x46: {  	_ =	shalt  }
0x47: {  	_ =	shalt  }
0x48: {  	_ =	shalt  }
0x49: {  	_ =	shalt  }
0x4a: {  	_ =	shalt  }
0x4b: {  	_ =	shalt  }
0x4c: {  	_ =	shalt  }
0x4d: {  	_ =	shalt  }
0x4e: {  	_ =	shalt  }
0x4f: {  	_ =	shalt  }
0x50: {  	_ =	shalt  }
0x51: {  	_ =	shalt  }
0x52: {  	_ =	shalt  }
0x53: {  	_ =	shalt  }
0x54: {  	_ =	shalt  }
0x55: {  	_ =	shalt  }
0x56: {  	_ =	shalt  }
0x57: {  	_ =	shalt  }
0x58: {  	_ =	shalt  }
0x59: {  	_ =	shalt  }
0x5a: {  	_ =	shalt  }
0x5b: {  	_ =	shalt  }
0x5c: {  	_ =	shalt  }
0x5d: {  	_ =	shalt  }
0x5e: {  	_ =	shalt  }
0x5f: {  	_ =	shalt  }
0x60: {  	_ =	shalt  }
0x61: {  	_ =	shalt  }
0x62: {  	_ =	shalt  }
0x63: {  	_ =	shalt  }
0x64: {  	_ =	shalt  }
0x65: {  	_ =	shalt  }
0x66: {  	_ =	shalt  }
0x67: {  	_ =	shalt  }
0x68: {  	_ =	shalt  }
0x69: {  	_ =	shalt  }
0x6a: {  	_ =	shalt  }
0x6b: {  	_ =	shalt  }
0x6c: {  	_ =	shalt  }
0x6d: {  	_ =	shalt  }
0x6e: {  	_ =	shalt  }
0x6f: {  	_ =	shalt  }
0x70: {  	_ =	shalt  }
0x71: {  	_ =	shalt  }
0x72: {  	_ =	shalt  }
0x73: {  	_ =	shalt  }
0x74: {  	_ =	shalt  }
0x75: {  	_ =	shalt  }
0x76: {  	_ =	shalt  }
0x77: {  	_ =	shalt  }
0x78: {  	_ =	shalt  }
0x79: {  	_ =	shalt  }
0x7a: {  	_ =	shalt  }
0x7b: {  	_ =	shalt  }
0x7c: {  	_ =	shalt  }
0x7d: {  	_ =	shalt  }
0x7e: {  	_ =	shalt  }
0x7f: {  	_ =	shalt  }
0x80: {  	_ =	shalt  }
0x81: {  	_ =	shalt  }
0x82: {  	_ =	shalt  }
0x83: {  	_ =	shalt  }
0x84: {  	_ =	shalt  }
0x85: {  	_ =	shalt  }
0x86: {  	_ =	shalt  }
0x87: {  	_ =	shalt  }
.Lfunc_end0:
.L_simem_size_0:
called_computation.1_lowered:
.L_overlay_start_0:
0x88: {  	s2 =	sld [smem:$0x3FD9]  }
0x89: {  	s3 =	sld [smem:$0x3FFE];
	_ =	sdelay $0x1  }
0x8a: {  	s1 =	srdreg.scid  }
0x8b: {  	s0 =	sand.u32 $0x1, s1  }
0x8c: {  	s14 =	sshll.u32 s0, $0xA;
	s2 =	sadd.s32 s3, s2  }
0x8d: {  	s2 =	sadd.s32 s2, s14  }
0x8e: {  	[smem:$0x3FC2] =	sst s2  }
0x8f: {  	_ = 	snop  }
0x90: {  	s2 =	sld [smem:$0x3FD0];
	_ =	sdelay $0x2  }
0x91: {  	s15 =	simm.s32 $0xA;
	s4 =	simm.s32 $0x10  }
0x92: {  	[smem:s4], [sflag:s15] =	dma.local [hbm:s2], $0x1  }
0x93: {  	_ =	swait.eq [sflag:s15], $0x1  }
0x94: {  	[sflag:s15] =	ssyncset.done $0x0  }
0x95: {  	s16 =	sld [smem:$0x10];
	[sflag:s15] =	ssyncadd.s32 $0xFFFFFFFF  }
0x96: {  	s17 =	sld [smem:$0x11];
	(tm) =	ssettm $0x1  }
0x97: {  	s18 =	sld [smem:$0x3FFB];
	_ =	sdelay $0x3  }
0x98: {  	_ =	strace s18  }
0x99: {  	s4 =	sld [smem:$0x3FFC];
	_ =	sdelay $0x3  }
0x9a: {  	_ =	strace s4  }
0x9b: {  	s4 =	sld [smem:$0x3FFD];
	_ =	sdelay $0x3  }
0x9c: {  	_ =	strace s4  }
0x9d: {  	_ =	strace $0x8FFFFFFF  }
0x9e: {  	s19 =	sld [smem:$0x3FDB];
	_ =	sdelay $0x1  }
0x9f: {  	s5 =	simm.s32 $_scs_section_size  }
0xa0: {  	s6 =	simm.s32 $_size__tile_overlayer_lowered;
	s7 =	simm.s32 $_tile_overlayer_lowered  }
0xa1: {  	s22 =	simm.s32 $0x1BFF;
	s21 =	sshll.u32 s7, $0x1;
	s4 =	sadd.s32 s5, s19  }
0xa2: {  	s8 =	simm.s32 $0x0;
	s20 =	sshll.u32 s6, $0x1;
	s6 =	sadd.s32 s21, s4  }
0xa3: {  	[timem:s8], [sflag:s22] =	dma.local [hbm:s6], s20  }
0xa4: {  	_ =	swait.ge [sflag:s22], s20  }
0xa5: {  	s5 =	ssub.s32 $0x0, s20;
	[sflag:s22] =	ssyncset.done $0x0  }
0xa6: {  	[sflag:s22] =	ssyncadd.s32 s5;
	_ =	sdelay $0x1  }
0xa7: {  	s23 =	simm.s32 $0x1B8B  }
0xa8: {  	_ =	swait.ge [sflag:s23], $0x1  }
0xa9: {  	[sflag:s23] =	ssyncset.done $0x0  }
0xaa: {  	s25 =	simm.s32 $0x1B8E;
	s24 =	sld [smem:$0x3FFE];
	[sflag:s23] =	ssyncadd.s32 $0xFFFFFFFF  }
0xab: {  	s26 =	simm.s32 $execute0_lowered;
	[smem:$0x3FD2] =	sst s25  }
0xac: {  	s6 =	sshll.u32 s26, $0x1;
	_ =	strace $0x80000049;
	[dreg:$0x1] =	wrdreg $0xFFFFFFFF  }
0xad: {  	s28 =	simm.s32 $_size_execute0_lowered;
	s4 =	sadd.s32 s4, s6;
	[dreg:$0x0] =	wrdreg $0x0  }
0xae: {  	s6 =	sshll.u32 s28, $0x1;
	[dreg:$0x2] =	wrdreg s4  }
0xaf: {  	[dreg:$0x3] =	wrdreg s6  }
0xb0: {  	[dreg:$0x4] =	wrdreg $0xC0  }
0xb1: {  	_ =	task [dreg:s8], $0x5FFFF  }
0xb2: {  	[dreg:$0x1] =	wrdreg $0xFFFFFFFF  }
0xb3: {  	[dreg:$0x0] =	wrdreg $0x60  }
0xb4: {  	[dreg:$0x2] =	wrdreg s16  }
0xb5: {  	[dreg:$0x3] =	wrdreg s17  }
0xb6: {  	[dreg:$0x4] =	wrdreg s24  }
0xb7: {  	[dreg:$0x5] =	wrdreg $0x84000  }
0xb8: {  	[dreg:$0x6] =	wrdreg $0x9  }
0xb9: {  	_ =	task.clear_ibuf [dreg:s8], $0x7FFFF;
	_ =	strace $0x90000049  }
0xba: {  	s29 =	simm.s32 $0x9;
	_ =	strace $0x8000004B  }
0xbb: {  	_ =	swait.ge [sflag:s29], $0x1  }
0xbc: {  	[sflag:s29] =	ssyncadd.s32 $0xFFFFFFFF  }
0xbd: {  	_ =	strace $0x9000004B  }
0xbe: {  	_ =	sfence  }
0xbf: {  	s30 =	sld [smem:$0x0];
	_ =	sdelay $0x2  }
0xc0: {  	s31 =	sshll.u32 s1, $0xD;
	s1 =	sshrl.u32 s1, $0x2  }
0xc1: {  	s3 =	sand.u32 $0x4000, s31;
	s1 =	sadd.s32 s1, s30  }
0xc2: {  	s0 =	sor.u32 s3, s0;
	s1 =	sshll.u32 s1, $0x11  }
0xc3: {  	s0 =	sor.u32 s1, s0  }
0xc4: {  	s0 =	sadd.s32 $0x8F2B, s0  }
0xc5: {  	[sflag:s0] =	ssyncadd.remote.s32 $0x1  }
0xc6: {  	_ =	sfence.sel $0xFFFF  }
0xc7: {  	[dreg:$0x0] =	wrdreg $0xFFFFFFFF;
	(pc) =	sbr.abs _section_cstart, $3  }
0xc8: {  	[dreg:$0x1] =	wrdreg $0xFFFFFFFF  }
0xc9: {  	_ =	task.clear_ibuf [dreg:s8], $0x2FFFF;
	_ =	strace $0x9FFFFFFF  }
0xca: {  	(tm) =	ssettm $0x7FFFFFFF  }
0xcb: {  	_ =	shalt  }
tec
execute0_lowered:
.L_overlay_start_1:
0x0: {  	(tag) =	ssettag $0x1  }
0x1: {  	s1 =	rddreg [dreg:$0x0]  }
0x2: {  	s0 =	rddreg [dreg:$0x1]  }
0x3: {  	s3 =	rddreg [dreg:$0x2]  }
0x4: {  	s2 =	rddreg [dreg:$0x3]  }
0x5: {  	s5 =	srdreg.scid;
	s9 =	stileid.u32  }
0x6: {  	s4 =	simm.s32 $0x0;
	s29 =	simm.s32 $0x400;
	s8 =	smul.u32 $0x2800, s9  }
0x7: {  	s30 =	simm.s32 $0xD;
	s5 =	sand.u32 $0x1, s5;
	s22 =	smul.u32 $0x50000, s9  }
0x8: {  	s31 =	simm.s32 $0x200;
	[smem:$0x7FF] =	sst s4;
	s6 =	smul.u32 $0x28000, s5  }
0x9: {  	s7 =	sshll.u32 s5, $0x4;
	_ =	strace $0x8000004A;
	s5 =	ssub.s32 $0x2, s5  }
0xa: {  	s7 =	sor.u32 s9, s7;
	s9 =	sadd.s32 $0x2000, s3;
	s10 =	sshrl.u32 s5, $0x1  }
0xb: {  	s23 =	sshrl.u32 s22, $0x2;
	s7 =	smul.u32 $0x2800, s7;
	s6 =	sadd.s32 s8, s6  }
0xc: {  	s10 =	ssub.s32 s5, s10;
	s5 =	sadd.s32 s23, s2;
	s3 =	sadd.s32 s6, s3  }
0xd: {  	s18 =	sor.u32 $0x500, s6;
	s19 =	sor.u32 $0x480, s6;
	s7 =	sshrl.u32 s7, $0x3  }
0xe: {  	s28 =	sadd.s32 $0x10000, s5;
	s3 =	sadd.s32 $0xC000, s3;
	s14 =	sadd.s32 s0, s7  }
0xf: {  	s24 =	sor.u32 $0x10, s7;
	s15 =	sadd.s32 s9, s7;
	[dreg:$0x1d] =	wrdreg s3  }
0x10: {  	s25 =	sor.u32 $0x20, s7;
	s12 =	sor.u32 $0x30, s7;
	[dreg:$0xd] =	wrdreg s14  }
0x11: {  	s16 =	sor.u32 $0x40, s7;
	s11 =	sadd.s32 s0, s24;
	[dreg:$0xe] =	wrdreg s15  }
0x12: {  	s3 =	simm.s32 $0x280;
	s8 =	sadd.s32 s9, s24;
	[dreg:$0xf] =	wrdreg s11  }
0x13: {  	s26 =	sadd.s32 s0, s25;
	s13 =	sadd.s32 s0, s12;
	[dreg:$0x10] =	wrdreg s8  }
0x14: {  	s17 =	sadd.s32 s0, s16;
	s24 =	sor.u32 $0x380, s6;
	[dreg:$0x11] =	wrdreg s26  }
0x15: {  	s11 =	sadd.s32 s9, s25;
	[dreg:$0x13] =	wrdreg s13;
	s8 =	sadd.s32 s9, s12  }
0x16: {  	[dreg:$0x15] =	wrdreg s17;
	s12 =	sor.u32 $0x50, s7;
	s13 =	sor.u32 $0x400, s6  }
0x17: {  	s26 =	sshrl.u32 s24, $0x3;
	s7 =	sadd.s32 $0x4F0, s7;
	[dreg:$0x12] =	wrdreg s11  }
0x18: {  	s24 =	sadd.s32 $0x4000, s5;
	[dreg:$0x14] =	wrdreg s8;
	s11 =	sadd.s32 s9, s16  }
0x19: {  	s8 =	sshrl.u32 s18, $0x3;
	s22 =	sshrl.u32 s13, $0x3;
	[dreg:$0x1f] =	wrdreg s24  }
0x1a: {  	s16 =	sadd.s32 s0, s12;
	s17 =	sadd.s32 s26, s9;
	[dreg:$0x16] =	wrdreg s11  }
0x1b: {  	s12 =	sadd.s32 s9, s12;
	s18 =	sadd.s32 s26, s0;
	[dreg:$0x17] =	wrdreg s16  }
0x1c: {  	s26 =	sadd.s32 $0xC000, s5;
	s13 =	simm.s32 $0x2;
	[dreg:$0x18] =	wrdreg s12  }
0x1d: {  	s8 =	sadd.s32 s8, s0;
	s11 =	sshrl.u32 s19, $0x3;
	[dreg:$0xa] =	wrdreg s17  }
0x1e: {  	s23 =	sadd.s32 s22, s9;
	s25 =	sadd.s32 s22, s0;
	[dreg:$0xb] =	wrdreg s18  }
0x1f: {  	s19 =	sadd.s32 $0x60, s14;
	s22 =	sadd.s32 s9, s7;
	[smem:$0x7FD] =	sst s26  }
0x20: {  	s12 =	simm.s32 $0x1;
	s14 =	simm.s32 $0x4400;
	[dreg:$0x5] =	wrdreg s8  }
0x21: {  	s16 =	simm.s32 $0x3;
	s17 =	simm.s32 $0xA;
	[dreg:$0x8] =	wrdreg s23  }
0x22: {  	s18 =	simm.s32 $0x6;
	s20 =	sadd.s32 s11, s9;
	[dreg:$0x9] =	wrdreg s25  }
0x23: {  	s21 =	sadd.s32 s11, s0;
	[dreg:$0x19] =	wrdreg s19;
	s0 =	sadd.s32 s0, s7  }
0x24: {  	[dreg:$0x1c] =	wrdreg s22;
	s23 =	smax.u32 s10, $0x1;
	s25 =	sadd.s32 $0x8000, s5  }
0x25: {  	s8 =	simm.s32 $0x100;
	s10 =	simm.s32 $0x180;
	[dreg:$0x6] =	wrdreg s20  }
0x26: {  	s11 =	simm.s32 $0x380;
	s7 =	simm.s32 $0xB;
	[dreg:$0x7] =	wrdreg s21  }
0x27: {  	s19 =	simm.s32 $0xC;
	s22 =	simm.s32 $0x8;
	[dreg:$0x1b] =	wrdreg s0  }
0x28: {  	s20 =	sadd.s32 $0x4E0, s15;
	s21 =	sor.u32 $0x300, s6;
	[dreg:$0x1e] =	wrdreg s23  }
0x29: {  	[smem:$0x7FC] =	sst s25;
	s15 =	simm.s32 $0x9;
	s6 =	simm.s32 $0x5  }
0x2a: {  	s23 =	simm.s32 $0x0;
	[dreg:$0x1a] =	wrdreg s20;
	s0 =	sshrl.u32 s21, $0x3  }
0x2b: {  	s20 =	simm.s32 $0x4;
	s21 =	simm.s32 $0x7;
	s0 =	sadd.s32 s0, s9  }
0x2c: {  	v0 =	vimm.f32 $0.0e+00;
	s9 =	simm.s32 $0x300;
	[dreg:$0xc] =	wrdreg s0;
	s0 =	simm.s32 $0x80  }
.LBB2_1:
0x2d: {  	s24 =	simm.s32 $0x0;
	s25 =	simm.s32 $0x200  }
.LBB2_2:
0x2e: {  	p0 =	sne.s32 s25, $0xFE00;
	[tilespmem:s24+$0x470] =	vst v0  }
0x2f: {  	[tilespmem:s24+$0x400] =	vst v0  }
0x30: {  	[tilespmem:s24+$0x410] =	vst v0  }
.Ltmp0:
0x31: {  	[tilespmem:s24+$0x420] =	vst v0;
	(pc) =	sbr.rel @p0 .LBB2_2-.Ltmp0, $4  }
0x32: {  	[tilespmem:s24+$0x430] =	vst v0  }
0x33: {  	[tilespmem:s24+$0x440] =	vst v0  }
0x34: {  	[tilespmem:s24+$0x450] =	vst v0  }
0x35: {  	[tilespmem:s24+$0x460] =	vst v0;
	s24 =	sshra.s32 s25, $0x2;
	s25 =	sadd.s32 $0x200, s25  }
0x36: {  	[tilespmem:s24+$0x470] =	vst v0  }
0x37: {  	[tilespmem:s24+$0x400] =	vst v0  }
0x38: {  	[tilespmem:s24+$0x410] =	vst v0  }
0x39: {  	[tilespmem:s24+$0x420] =	vst v0  }
0x3a: {  	[tilespmem:s24+$0x430] =	vst v0  }
0x3b: {  	[tilespmem:s24+$0x440] =	vst v0  }
0x3c: {  	[tilespmem:s24+$0x450] =	vst v0  }
0x3d: {  	[tilespmem:s24+$0x460] =	vst v0  }
0x3e: {  	[spmem:s5] =	stream.linear.scatter [tilespmem:s29], [sflag:$0xD], $0x4000, $0x38;
	[tilespmem:$0x1C400] =	vst v63  }
0x3f: {  	_ =	swait.ge [sflag:s30], $0x4000  }
0x40: {  	[sflag:s30] =	ssyncset.done $0x0  }
0x41: {  	s25 =	rddreg [dreg:$0x1f];
	[sflag:s30] =	ssyncadd.s32 $0xFFFFC000  }
0x42: {  	[spmem:s25] =	stream.linear.scatter [tilespmem:s29], [sflag:$0xD], $0x4000, $0x38;
	[tilespmem:$0x1C400] =	vst v63  }
0x43: {  	_ =	swait.ge [sflag:s30], $0x4000  }
0x44: {  	s26 =	sld [smem:$0x7FC]  }
0x45: {  	[sflag:s30] =	ssyncset.done $0x0  }
0x46: {  	[sflag:s30] =	ssyncadd.s32 $0xFFFFC000  }
0x47: {  	[spmem:s26] =	stream.linear.scatter [tilespmem:s29], [sflag:$0xD], $0x4000, $0x38;
	[tilespmem:$0x1C400] =	vst v63  }
0x48: {  	_ =	swait.ge [sflag:s30], $0x4000  }
0x49: {  	s25 =	sld [smem:$0x7FD]  }
0x4a: {  	[sflag:s30] =	ssyncset.done $0x0  }
0x4b: {  	[sflag:s30] =	ssyncadd.s32 $0xFFFFC000  }
0x4c: {  	[spmem:s25] =	stream.linear.scatter [tilespmem:s29], [sflag:$0xD], $0x4000, $0x38;
	[tilespmem:$0x1C400] =	vst v63  }
0x4d: {  	_ =	swait.ge [sflag:s30], $0x4000  }
0x4e: {  	[sflag:s30] =	ssyncset.done $0x0  }
0x4f: {  	[sflag:s30] =	ssyncadd.s32 $0xFFFFC000  }
0x50: {  	[spmem:s28] =	stream.linear.scatter [tilespmem:s29], [sflag:$0xD], $0x4000, $0x38;
	[tilespmem:$0x1C400] =	vst v63  }
0x51: {  	_ =	swait.ge [sflag:s30], $0x4000  }
0x52: {  	[sflag:s30] =	ssyncset.done $0x0  }
0x53: {  	[sflag:s30] =	ssyncadd.s32 $0xFFFFC000  }
0x54: {  	[bflag:$0x0] =	sbarrier.arrive $0xFFFF  }
0x55: {  	s24 =	simm.s32 $0x0;
	s25 =	rddreg [dreg:$0xd]  }
0x56: {  	[tilespmem:s24], [sflag:$0x1] =	stream.linear.gather [hbm4b:s25+s24], $0x80, $0x38;
	[tilespmem:$0x1C400] =	vst v63  }
0x57: {  	s26 =	rddreg [dreg:$0xe]  }
0x58: {  	[tilespmem:s31], [sflag:$0x5] =	stream.linear.gather [hbm4b:s26+s24], $0x80, $0x38;
	[tilespmem:$0x1C400] =	vst v63  }
0x59: {  	s26 =	rddreg [dreg:$0xf]  }
0x5a: {  	[tilespmem:s0], [sflag:$0x2] =	stream.linear.gather [hbm4b:s26+s24], $0x80, $0x38;
	[tilespmem:$0x1C400] =	vst v63  }
0x5b: {  	s26 =	rddreg [dreg:$0x10]  }
0x5c: {  	[tilespmem:s3], [sflag:$0x6] =	stream.linear.gather [hbm4b:s26+s24], $0x80, $0x38;
	[tilespmem:$0x1C400] =	vst v63  }
0x5d: {  	s26 =	rddreg [dreg:$0x11]  }
0x5e: {  	[tilespmem:s8], [sflag:$0x3] =	stream.linear.gather [hbm4b:s26+s24], $0x80, $0x38;
	[tilespmem:$0x1C400] =	vst v63  }
0x5f: {  	s26 =	rddreg [dreg:$0x12]  }
0x60: {  	[tilespmem:s9], [sflag:$0x7] =	stream.linear.gather [hbm4b:s26+s24], $0x80, $0x38;
	[tilespmem:$0x1C400] =	vst v63  }
0x61: {  	s26 =	rddreg [dreg:$0x13]  }
0x62: {  	[tilespmem:s10], [sflag:$0x4] =	stream.linear.gather [hbm4b:s26+s24], $0x80, $0x38;
	[tilespmem:$0x1C400] =	vst v63  }
0x63: {  	s26 =	rddreg [dreg:$0x14]  }
0x64: {  	[tilespmem:s11], [sflag:$0x8] =	stream.linear.gather [hbm4b:s26+s24], $0x80, $0x38;
	[tilespmem:$0x1C400] =	vst v63  }
0x65: {  	_ =	swait.ge [sflag:s12], $0x80  }
0x66: {  	[sflag:s12] =	ssyncset.done $0x0  }
0x67: {  	[sflag:s12] =	ssyncadd.s32 $0xFFFFFF80  }
0x68: {  	[tilespmem:s29], [sflag:$0x9] =	stream.indirect.gather [hbm4b:s1+s0], $0x80, s24, s0, $0xb8;
	[tilespmem:$0x1C400] =	vst v63  }
0x69: {  	_ =	swait.ge [sflag:s13], $0x80  }
0x6a: {  	[sflag:s13] =	ssyncset.done $0x0  }
0x6b: {  	[sflag:s13] =	ssyncadd.s32 $0xFFFFFF80  }
0x6c: {  	[tilespmem:s14], [sflag:$0xA] =	stream.indirect.gather [hbm4b:s1+s0], $0x80, s0, s0, $0xb8;
	[tilespmem:$0x1C400] =	vst v63  }
0x6d: {  	_ =	swait.ge [sflag:s15], $0x4000  }
0x6e: {  	[sflag:s15] =	ssyncset.done $0x0  }
0x6f: {  	s26 =	rddreg [dreg:$0x15];
	[sflag:s15] =	ssyncadd.s32 $0xFFFFC000  }
0x70: {  	[tilespmem:s24], [sflag:$0x1] =	stream.linear.gather [hbm4b:s26+s24], $0x80, $0x38;
	[tilespmem:$0x1C400] =	vst v63  }
0x71: {  	_ =	swait.ge [sflag:s6], $0x80  }
0x72: {  	[sflag:s6] =	ssyncset.done $0x0  }
0x73: {  	[sflag:s6] =	ssyncadd.s32 $0xFFFFFF80  }
0x74: {  	[spmem:s2] =	stream.indirect.scatter.add.f32 [tilespmem:s29], [sflag:$0xB], $0x80, s31, s0, $0xb8;
	[tilespmem:$0x1C400] =	vst v63  }
0x75: {  	_ =	swait.ge [sflag:s7], $0x4000  }
0x76: {  	[sflag:s7] =	ssyncset.done $0x0  }
0x77: {  	s26 =	rddreg [dreg:$0x16];
	[sflag:s7] =	ssyncadd.s32 $0xFFFFC000  }
0x78: {  	[tilespmem:s31], [sflag:$0x5] =	stream.linear.gather [hbm4b:s26+s24], $0x80, $0x38;
	[tilespmem:$0x1C400] =	vst v63  }
0x79: {  	_ =	swait.ge [sflag:s16], $0x80  }
0x7a: {  	[sflag:s16] =	ssyncset.done $0x0  }
0x7b: {  	[sflag:s16] =	ssyncadd.s32 $0xFFFFFF80  }
0x7c: {  	[tilespmem:s29], [sflag:$0x9] =	stream.indirect.gather [hbm4b:s1+s0], $0x80, s8, s0, $0xb8;
	[tilespmem:$0x1C400] =	vst v63  }
0x7d: {  	_ =	swait.ge [sflag:s17], $0x4000  }
0x7e: {  	[sflag:s17] =	ssyncset.done $0x0  }
0x7f: {  	[sflag:s17] =	ssyncadd.s32 $0xFFFFC000  }
0x80: {  	_ =	swait.ge [sflag:s18], $0x80  }
0x81: {  	[sflag:s18] =	ssyncset.done $0x0  }
0x82: {  	[sflag:s18] =	ssyncadd.s32 $0xFFFFFF80  }
0x83: {  	[spmem:s2] =	stream.indirect.scatter.add.f32 [tilespmem:s14], [sflag:$0xC], $0x80, s3, s0, $0xb8;
	[tilespmem:$0x1C400] =	vst v63  }
0x84: {  	s26 =	rddreg [dreg:$0x17]  }
0x85: {  	[tilespmem:s0], [sflag:$0x2] =	stream.linear.gather [hbm4b:s26+s24], $0x80, $0x38;
	[tilespmem:$0x1C400] =	vst v63  }
0x86: {  	_ =	swait.ge [sflag:s19], $0x4000  }
0x87: {  	[sflag:s19] =	ssyncset.done $0x0  }
0x88: {  	s26 =	rddreg [dreg:$0x18];
	[sflag:s19] =	ssyncadd.s32 $0xFFFFC000  }
0x89: {  	[tilespmem:s3], [sflag:$0x6] =	stream.linear.gather [hbm4b:s26+s24], $0x80, $0x38;
	[tilespmem:$0x1C400] =	vst v63  }
0x8a: {  	_ =	swait.ge [sflag:s20], $0x80  }
0x8b: {  	[sflag:s20] =	ssyncset.done $0x0  }
0x8c: {  	[sflag:s20] =	ssyncadd.s32 $0xFFFFFF80  }
0x8d: {  	[tilespmem:s14], [sflag:$0xA] =	stream.indirect.gather [hbm4b:s1+s0], $0x80, s10, s0, $0xb8;
	[tilespmem:$0x1C400] =	vst v63  }
0x8e: {  	_ =	swait.ge [sflag:s15], $0x4000  }
0x8f: {  	[sflag:s15] =	ssyncset.done $0x0  }
0x90: {  	[sflag:s15] =	ssyncadd.s32 $0xFFFFC000  }
0x91: {  	_ =	swait.ge [sflag:s21], $0x80  }
0x92: {  	[sflag:s21] =	ssyncset.done $0x0  }
0x93: {  	[sflag:s21] =	ssyncadd.s32 $0xFFFFFF80  }
0x94: {  	[spmem:s2] =	stream.indirect.scatter.add.f32 [tilespmem:s29], [sflag:$0xB], $0x80, s9, s0, $0xb8;
	[tilespmem:$0x1C400] =	vst v63  }
0x95: {  	s26 =	rddreg [dreg:$0x19]  }
0x96: {  	[tilespmem:s8], [sflag:$0x3] =	stream.linear.gather [hbm4b:s26+s24], $0x80, $0x38;
	[tilespmem:$0x1C400] =	vst v63  }
0x97: {  	_ =	swait.ge [sflag:s7], $0x4000  }
0x98: {  	s25 =	rddreg [dreg:$0xc];
	[sflag:s7] =	ssyncset.done $0x0  }
0x99: {  	[sflag:s7] =	ssyncadd.s32 $0xFFFFC000;
	s24 =	sadd.s32 $0x0, s25  }
0x9a: {  	[tilespmem:s9], [sflag:$0x7] =	stream.linear.gather [hbm4b:s24+s4], $0x80, $0x38;
	[tilespmem:$0x1C400] =	vst v63  }
0x9b: {  	_ =	swait.ge [sflag:s12], $0x80  }
0x9c: {  	[sflag:s12] =	ssyncset.done $0x0  }
0x9d: {  	[sflag:s12] =	ssyncadd.s32 $0xFFFFFF80  }
0x9e: {  	[tilespmem:s29], [sflag:$0x9] =	stream.indirect.gather [hbm4b:s1+s0], $0x80, s4, s0, $0xb8;
	[tilespmem:$0x1C400] =	vst v63  }
0x9f: {  	_ =	swait.ge [sflag:s17], $0x4000  }
0xa0: {  	[sflag:s17] =	ssyncset.done $0x0  }
0xa1: {  	[sflag:s17] =	ssyncadd.s32 $0xFFFFC000  }
0xa2: {  	_ =	swait.ge [sflag:s22], $0x80  }
0xa3: {  	[sflag:s22] =	ssyncset.done $0x0  }
0xa4: {  	s26 =	rddreg [dreg:$0xb];
	[sflag:s22] =	ssyncadd.s32 $0xFFFFFF80  }
0xa5: {  	[spmem:s2] =	stream.indirect.scatter.add.f32 [tilespmem:s14], [sflag:$0xC], $0x80, s11, s0, $0xb8;
	[tilespmem:$0x1C400] =	vst v63  }
0xa6: {  	s24 =	sadd.s32 $0x0, s26  }
0xa7: {  	[tilespmem:s10], [sflag:$0x4] =	stream.linear.gather [hbm4b:s24+s4], $0x80, $0x38;
	[tilespmem:$0x1C400] =	vst v63  }
0xa8: {  	_ =	swait.ge [sflag:s19], $0x4000  }
0xa9: {  	s25 =	rddreg [dreg:$0xa];
	[sflag:s19] =	ssyncset.done $0x0  }
0xaa: {  	[sflag:s19] =	ssyncadd.s32 $0xFFFFC000;
	s24 =	sadd.s32 $0x0, s25  }
0xab: {  	[tilespmem:s11], [sflag:$0x8] =	stream.linear.gather [hbm4b:s24+s4], $0x80, $0x38;
	[tilespmem:$0x1C400] =	vst v63  }
0xac: {  	_ =	swait.ge [sflag:s13], $0x80  }
0xad: {  	[sflag:s13] =	ssyncset.done $0x0  }
0xae: {  	[sflag:s13] =	ssyncadd.s32 $0xFFFFFF80  }
0xaf: {  	[tilespmem:s14], [sflag:$0xA] =	stream.indirect.gather [hbm4b:s1+s0], $0x80, s0, s0, $0xb8;
	[tilespmem:$0x1C400] =	vst v63  }
0xb0: {  	_ =	swait.ge [sflag:s15], $0x4000  }
0xb1: {  	[sflag:s15] =	ssyncset.done $0x0  }
0xb2: {  	[sflag:s15] =	ssyncadd.s32 $0xFFFFC000  }
0xb3: {  	_ =	swait.ge [sflag:s6], $0x80  }
0xb4: {  	[sflag:s6] =	ssyncset.done $0x0  }
0xb5: {  	s26 =	rddreg [dreg:$0x9];
	[sflag:s6] =	ssyncadd.s32 $0xFFFFFF80  }
0xb6: {  	[spmem:s2] =	stream.indirect.scatter.add.f32 [tilespmem:s29], [sflag:$0xB], $0x80, s31, s0, $0xb8;
	[tilespmem:$0x1C400] =	vst v63  }
0xb7: {  	s24 =	sadd.s32 $0x0, s26  }
0xb8: {  	[tilespmem:s4], [sflag:$0x1] =	stream.linear.gather [hbm4b:s24+s4], $0x80, $0x38;
	[tilespmem:$0x1C400] =	vst v63  }
0xb9: {  	_ =	swait.ge [sflag:s7], $0x4000  }
0xba: {  	s25 =	rddreg [dreg:$0x8];
	[sflag:s7] =	ssyncset.done $0x0  }
0xbb: {  	[sflag:s7] =	ssyncadd.s32 $0xFFFFC000;
	s24 =	sadd.s32 $0x0, s25  }
0xbc: {  	[tilespmem:s31], [sflag:$0x5] =	stream.linear.gather [hbm4b:s24+s4], $0x80, $0x38;
	[tilespmem:$0x1C400] =	vst v63  }
0xbd: {  	_ =	swait.ge [sflag:s16], $0x80  }
0xbe: {  	[sflag:s16] =	ssyncset.done $0x0  }
0xbf: {  	[sflag:s16] =	ssyncadd.s32 $0xFFFFFF80  }
0xc0: {  	[tilespmem:s29], [sflag:$0x9] =	stream.indirect.gather [hbm4b:s1+s0], $0x80, s8, s0, $0xb8;
	[tilespmem:$0x1C400] =	vst v63  }
0xc1: {  	_ =	swait.ge [sflag:s17], $0x4000  }
0xc2: {  	[sflag:s17] =	ssyncset.done $0x0  }
0xc3: {  	[sflag:s17] =	ssyncadd.s32 $0xFFFFC000  }
0xc4: {  	_ =	swait.ge [sflag:s18], $0x80  }
0xc5: {  	[sflag:s18] =	ssyncset.done $0x0  }
0xc6: {  	s26 =	rddreg [dreg:$0x7];
	[sflag:s18] =	ssyncadd.s32 $0xFFFFFF80  }
0xc7: {  	[spmem:s2] =	stream.indirect.scatter.add.f32 [tilespmem:s14], [sflag:$0xC], $0x80, s3, s0, $0xb8;
	[tilespmem:$0x1C400] =	vst v63  }
0xc8: {  	s24 =	sadd.s32 $0x0, s26  }
0xc9: {  	[tilespmem:s0], [sflag:$0x2] =	stream.linear.gather [hbm4b:s24+s4], $0x80, $0x38;
	[tilespmem:$0x1C400] =	vst v63  }
0xca: {  	_ =	swait.ge [sflag:s19], $0x4000  }
0xcb: {  	s25 =	rddreg [dreg:$0x6];
	[sflag:s19] =	ssyncset.done $0x0  }
0xcc: {  	[sflag:s19] =	ssyncadd.s32 $0xFFFFC000;
	s24 =	sadd.s32 $0x0, s25  }
0xcd: {  	[tilespmem:s3], [sflag:$0x6] =	stream.linear.gather [hbm4b:s24+s4], $0x80, $0x38;
	[tilespmem:$0x1C400] =	vst v63  }
0xce: {  	_ =	swait.ge [sflag:s20], $0x80  }
0xcf: {  	[sflag:s20] =	ssyncset.done $0x0  }
0xd0: {  	[sflag:s20] =	ssyncadd.s32 $0xFFFFFF80  }
0xd1: {  	[tilespmem:s14], [sflag:$0xA] =	stream.indirect.gather [hbm4b:s1+s0], $0x80, s10, s0, $0xb8;
	[tilespmem:$0x1C400] =	vst v63  }
0xd2: {  	_ =	swait.ge [sflag:s15], $0x4000  }
0xd3: {  	[sflag:s15] =	ssyncset.done $0x0  }
0xd4: {  	[sflag:s15] =	ssyncadd.s32 $0xFFFFC000  }
0xd5: {  	_ =	swait.ge [sflag:s21], $0x80  }
0xd6: {  	[sflag:s21] =	ssyncset.done $0x0;
	s26 =	rddreg [dreg:$0x5]  }
0xd7: {  	s24 =	simm.s32 $0x40;
	[sflag:s21] =	ssyncadd.s32 $0xFFFFFF80;
	s25 =	sadd.s32 $0x0, s26  }
0xd8: {  	[spmem:s2] =	stream.indirect.scatter.add.f32 [tilespmem:s29], [sflag:$0xB], $0x80, s9, s0, $0xb8;
	[tilespmem:$0x1C400] =	vst v63  }
.LBB2_4:
0xd9: {  	[tilespmem:s8], [sflag:$0x3] =	stream.linear.gather [hbm4b:s25+s4], $0x80, $0x38;
	[tilespmem:$0x1C400] =	vst v63  }
0xda: {  	_ =	swait.ge [sflag:s7], $0x4000  }
0xdb: {  	s25 =	smov.u32 s24;
	s26 =	rddreg [dreg:$0xc];
	[sflag:s7] =	ssyncset.done $0x0  }
0xdc: {  	[sflag:s7] =	ssyncadd.s32 $0xFFFFC000;
	s26 =	sadd.s32 s25, s26  }
0xdd: {  	[tilespmem:s9], [sflag:$0x7] =	stream.linear.gather [hbm4b:s26+s4], $0x80, $0x38;
	[tilespmem:$0x1C400] =	vst v63  }
0xde: {  	_ =	swait.ge [sflag:s12], $0x80  }
0xdf: {  	[sflag:s12] =	ssyncset.done $0x0  }
0xe0: {  	[sflag:s12] =	ssyncadd.s32 $0xFFFFFF80  }
0xe1: {  	[tilespmem:s29], [sflag:$0x9] =	stream.indirect.gather [hbm4b:s1+s0], $0x80, s4, s0, $0xb8;
	[tilespmem:$0x1C400] =	vst v63  }
0xe2: {  	_ =	swait.ge [sflag:s17], $0x4000  }
0xe3: {  	[sflag:s17] =	ssyncset.done $0x0  }
0xe4: {  	[sflag:s17] =	ssyncadd.s32 $0xFFFFC000  }
0xe5: {  	_ =	swait.ge [sflag:s22], $0x80  }
0xe6: {  	[sflag:s22] =	ssyncset.done $0x0  }
0xe7: {  	s26 =	rddreg [dreg:$0xb];
	[sflag:s22] =	ssyncadd.s32 $0xFFFFFF80  }
0xe8: {  	[spmem:s2] =	stream.indirect.scatter.add.f32 [tilespmem:s14], [sflag:$0xC], $0x80, s11, s0, $0xb8;
	[tilespmem:$0x1C400] =	vst v63  }
0xe9: {  	s26 =	sadd.s32 s25, s26  }
0xea: {  	[tilespmem:s10], [sflag:$0x4] =	stream.linear.gather [hbm4b:s26+s4], $0x80, $0x38;
	[tilespmem:$0x1C400] =	vst v63  }
0xeb: {  	_ =	swait.ge [sflag:s19], $0x4000  }
0xec: {  	s26 =	rddreg [dreg:$0xa];
	[sflag:s19] =	ssyncset.done $0x0  }
0xed: {  	[sflag:s19] =	ssyncadd.s32 $0xFFFFC000;
	s26 =	sadd.s32 s25, s26  }
0xee: {  	[tilespmem:s11], [sflag:$0x8] =	stream.linear.gather [hbm4b:s26+s4], $0x80, $0x38;
	[tilespmem:$0x1C400] =	vst v63  }
0xef: {  	_ =	swait.ge [sflag:s13], $0x80  }
0xf0: {  	[sflag:s13] =	ssyncset.done $0x0  }
0xf1: {  	[sflag:s13] =	ssyncadd.s32 $0xFFFFFF80  }
0xf2: {  	[tilespmem:s14], [sflag:$0xA] =	stream.indirect.gather [hbm4b:s1+s0], $0x80, s0, s0, $0xb8;
	[tilespmem:$0x1C400] =	vst v63  }
0xf3: {  	_ =	swait.ge [sflag:s15], $0x4000  }
0xf4: {  	[sflag:s15] =	ssyncset.done $0x0  }
0xf5: {  	[sflag:s15] =	ssyncadd.s32 $0xFFFFC000  }
0xf6: {  	_ =	swait.ge [sflag:s6], $0x80  }
0xf7: {  	[sflag:s6] =	ssyncset.done $0x0  }
0xf8: {  	s26 =	rddreg [dreg:$0x9];
	[sflag:s6] =	ssyncadd.s32 $0xFFFFFF80  }
0xf9: {  	[spmem:s2] =	stream.indirect.scatter.add.f32 [tilespmem:s29], [sflag:$0xB], $0x80, s31, s0, $0xb8;
	[tilespmem:$0x1C400] =	vst v63  }
0xfa: {  	s26 =	sadd.s32 s25, s26  }
0xfb: {  	[tilespmem:s4], [sflag:$0x1] =	stream.linear.gather [hbm4b:s26+s4], $0x80, $0x38;
	[tilespmem:$0x1C400] =	vst v63  }
0xfc: {  	_ =	swait.ge [sflag:s7], $0x4000  }
0xfd: {  	s26 =	rddreg [dreg:$0x8];
	[sflag:s7] =	ssyncset.done $0x0  }
0xfe: {  	[sflag:s7] =	ssyncadd.s32 $0xFFFFC000;
	s26 =	sadd.s32 s25, s26  }
0xff: {  	[tilespmem:s31], [sflag:$0x5] =	stream.linear.gather [hbm4b:s26+s4], $0x80, $0x38;
	[tilespmem:$0x1C400] =	vst v63  }
0x100: {  	_ =	swait.ge [sflag:s16], $0x80  }
0x101: {  	[sflag:s16] =	ssyncset.done $0x0  }
0x102: {  	[sflag:s16] =	ssyncadd.s32 $0xFFFFFF80  }
0x103: {  	[tilespmem:s29], [sflag:$0x9] =	stream.indirect.gather [hbm4b:s1+s0], $0x80, s8, s0, $0xb8;
	[tilespmem:$0x1C400] =	vst v63  }
0x104: {  	_ =	swait.ge [sflag:s17], $0x4000  }
0x105: {  	[sflag:s17] =	ssyncset.done $0x0  }
0x106: {  	[sflag:s17] =	ssyncadd.s32 $0xFFFFC000  }
0x107: {  	_ =	swait.ge [sflag:s18], $0x80  }
0x108: {  	[sflag:s18] =	ssyncset.done $0x0  }
0x109: {  	s26 =	rddreg [dreg:$0x7];
	[sflag:s18] =	ssyncadd.s32 $0xFFFFFF80  }
0x10a: {  	[spmem:s2] =	stream.indirect.scatter.add.f32 [tilespmem:s14], [sflag:$0xC], $0x80, s3, s0, $0xb8;
	[tilespmem:$0x1C400] =	vst v63  }
0x10b: {  	s26 =	sadd.s32 s25, s26  }
0x10c: {  	[tilespmem:s0], [sflag:$0x2] =	stream.linear.gather [hbm4b:s26+s4], $0x80, $0x38;
	[tilespmem:$0x1C400] =	vst v63  }
0x10d: {  	_ =	swait.ge [sflag:s19], $0x4000  }
0x10e: {  	s26 =	rddreg [dreg:$0x6];
	[sflag:s19] =	ssyncset.done $0x0  }
0x10f: {  	[sflag:s19] =	ssyncadd.s32 $0xFFFFC000;
	s26 =	sadd.s32 s25, s26  }
0x110: {  	[tilespmem:s3], [sflag:$0x6] =	stream.linear.gather [hbm4b:s26+s4], $0x80, $0x38;
	[tilespmem:$0x1C400] =	vst v63  }
0x111: {  	_ =	swait.ge [sflag:s20], $0x80  }
0x112: {  	[sflag:s20] =	ssyncset.done $0x0  }
0x113: {  	[sflag:s20] =	ssyncadd.s32 $0xFFFFFF80  }
0x114: {  	[tilespmem:s14], [sflag:$0xA] =	stream.indirect.gather [hbm4b:s1+s0], $0x80, s10, s0, $0xb8;
	[tilespmem:$0x1C400] =	vst v63  }
0x115: {  	_ =	swait.ge [sflag:s15], $0x4000  }
0x116: {  	p0 =	sne.s32 s24, $0x440;
	[sflag:s15] =	ssyncset.done $0x0  }
.Ltmp1:
0x117: {  	[sflag:s15] =	ssyncadd.s32 $0xFFFFC000;
	(pc) =	sbr.rel @p0 .LBB2_4-.Ltmp1, $4  }
0x118: {  	_ =	swait.ge [sflag:s21], $0x80  }
0x119: {  	[sflag:s21] =	ssyncset.done $0x0;
	s26 =	rddreg [dreg:$0x5]  }
0x11a: {  	s24 =	sadd.s32 $0x40, s24;
	[sflag:s21] =	ssyncadd.s32 $0xFFFFFF80;
	s25 =	sadd.s32 s25, s26  }
0x11b: {  	[spmem:s2] =	stream.indirect.scatter.add.f32 [tilespmem:s29], [sflag:$0xB], $0x80, s9, s0, $0xb8;
	[tilespmem:$0x1C400] =	vst v63  }
0x11c: {  	[tilespmem:s8], [sflag:$0x3] =	stream.linear.gather [hbm4b:s25+s4], $0x80, $0x38;
	[tilespmem:$0x1C400] =	vst v63  }
0x11d: {  	_ =	swait.ge [sflag:s7], $0x4000  }
0x11e: {  	[sflag:s7] =	ssyncset.done $0x0  }
0x11f: {  	s24 =	rddreg [dreg:$0x1a];
	[sflag:s7] =	ssyncadd.s32 $0xFFFFC000  }
0x120: {  	[tilespmem:s9], [sflag:$0x7] =	stream.linear.gather [hbm4b:s24+s4], $0x80, $0x38;
	[tilespmem:$0x1C400] =	vst v63  }
0x121: {  	_ =	swait.ge [sflag:s12], $0x80  }
0x122: {  	[sflag:s12] =	ssyncset.done $0x0  }
0x123: {  	[sflag:s12] =	ssyncadd.s32 $0xFFFFFF80  }
0x124: {  	[tilespmem:s29], [sflag:$0x9] =	stream.indirect.gather [hbm4b:s1+s0], $0x80, s4, s0, $0xb8;
	[tilespmem:$0x1C400] =	vst v63  }
0x125: {  	_ =	swait.ge [sflag:s17], $0x4000  }
0x126: {  	[sflag:s17] =	ssyncset.done $0x0  }
0x127: {  	[sflag:s17] =	ssyncadd.s32 $0xFFFFC000  }
0x128: {  	_ =	swait.ge [sflag:s22], $0x80  }
0x129: {  	[sflag:s22] =	ssyncset.done $0x0  }
0x12a: {  	[sflag:s22] =	ssyncadd.s32 $0xFFFFFF80  }
0x12b: {  	[spmem:s2] =	stream.indirect.scatter.add.f32 [tilespmem:s14], [sflag:$0xC], $0x80, s11, s0, $0xb8;
	[tilespmem:$0x1C400] =	vst v63  }
0x12c: {  	s25 =	rddreg [dreg:$0x1b]  }
0x12d: {  	[tilespmem:s10], [sflag:$0x4] =	stream.linear.gather [hbm4b:s25+s4], $0x80, $0x38;
	[tilespmem:$0x1C400] =	vst v63  }
0x12e: {  	_ =	swait.ge [sflag:s19], $0x4000  }
0x12f: {  	[sflag:s19] =	ssyncset.done $0x0  }
0x130: {  	s26 =	rddreg [dreg:$0x1c];
	[sflag:s19] =	ssyncadd.s32 $0xFFFFC000  }
0x131: {  	[tilespmem:s11], [sflag:$0x8] =	stream.linear.gather [hbm4b:s26+s4], $0x80, $0x38;
	[tilespmem:$0x1C400] =	vst v63  }
0x132: {  	_ =	swait.ge [sflag:s13], $0x80  }
0x133: {  	[sflag:s13] =	ssyncset.done $0x0  }
0x134: {  	[sflag:s13] =	ssyncadd.s32 $0xFFFFFF80  }
0x135: {  	[tilespmem:s14], [sflag:$0xA] =	stream.indirect.gather [hbm4b:s1+s0], $0x80, s0, s0, $0xb8;
	[tilespmem:$0x1C400] =	vst v63  }
0x136: {  	_ =	swait.ge [sflag:s15], $0x4000  }
0x137: {  	[sflag:s15] =	ssyncset.done $0x0  }
0x138: {  	[sflag:s15] =	ssyncadd.s32 $0xFFFFC000  }
0x139: {  	_ =	swait.ge [sflag:s6], $0x80  }
0x13a: {  	[sflag:s6] =	ssyncset.done $0x0  }
0x13b: {  	[sflag:s6] =	ssyncadd.s32 $0xFFFFFF80  }
0x13c: {  	[spmem:s2] =	stream.indirect.scatter.add.f32 [tilespmem:s29], [sflag:$0xB], $0x80, s31, s0, $0xb8;
	[tilespmem:$0x1C400] =	vst v63  }
0x13d: {  	_ =	swait.ge [sflag:s7], $0x4000  }
0x13e: {  	[sflag:s7] =	ssyncset.done $0x0  }
0x13f: {  	[sflag:s7] =	ssyncadd.s32 $0xFFFFC000  }
0x140: {  	_ =	swait.ge [sflag:s16], $0x80  }
0x141: {  	[sflag:s16] =	ssyncset.done $0x0  }
0x142: {  	[sflag:s16] =	ssyncadd.s32 $0xFFFFFF80  }
0x143: {  	[tilespmem:s29], [sflag:$0x9] =	stream.indirect.gather [hbm4b:s1+s0], $0x80, s8, s0, $0xb8;
	[tilespmem:$0x1C400] =	vst v63  }
0x144: {  	_ =	swait.ge [sflag:s17], $0x4000  }
0x145: {  	[sflag:s17] =	ssyncset.done $0x0  }
0x146: {  	[sflag:s17] =	ssyncadd.s32 $0xFFFFC000  }
0x147: {  	_ =	swait.ge [sflag:s18], $0x80  }
0x148: {  	[sflag:s18] =	ssyncset.done $0x0  }
0x149: {  	[sflag:s18] =	ssyncadd.s32 $0xFFFFFF80  }
0x14a: {  	[spmem:s2] =	stream.indirect.scatter.add.f32 [tilespmem:s14], [sflag:$0xC], $0x80, s3, s0, $0xb8;
	[tilespmem:$0x1C400] =	vst v63  }
0x14b: {  	_ =	swait.ge [sflag:s19], $0x4000  }
0x14c: {  	[sflag:s19] =	ssyncset.done $0x0  }
0x14d: {  	[sflag:s19] =	ssyncadd.s32 $0xFFFFC000  }
0x14e: {  	_ =	swait.ge [sflag:s20], $0x80  }
0x14f: {  	[sflag:s20] =	ssyncset.done $0x0  }
0x150: {  	[sflag:s20] =	ssyncadd.s32 $0xFFFFFF80  }
0x151: {  	[tilespmem:s14], [sflag:$0xA] =	stream.indirect.gather [hbm4b:s1+s0], $0x80, s10, s0, $0xb8;
	[tilespmem:$0x1C400] =	vst v63  }
0x152: {  	_ =	swait.ge [sflag:s15], $0x4000  }
0x153: {  	[sflag:s15] =	ssyncset.done $0x0  }
0x154: {  	[sflag:s15] =	ssyncadd.s32 $0xFFFFC000  }
0x155: {  	_ =	swait.ge [sflag:s21], $0x80  }
0x156: {  	[sflag:s21] =	ssyncset.done $0x0  }
0x157: {  	[sflag:s21] =	ssyncadd.s32 $0xFFFFFF80  }
0x158: {  	[spmem:s2] =	stream.indirect.scatter.add.f32 [tilespmem:s29], [sflag:$0xB], $0x80, s9, s0, $0xb8;
	[tilespmem:$0x1C400] =	vst v63  }
0x159: {  	_ =	swait.ge [sflag:s17], $0x4000  }
0x15a: {  	[sflag:s17] =	ssyncset.done $0x0  }
0x15b: {  	[sflag:s17] =	ssyncadd.s32 $0xFFFFC000  }
0x15c: {  	_ =	swait.ge [sflag:s22], $0x80  }
0x15d: {  	[sflag:s22] =	ssyncset.done $0x0  }
0x15e: {  	[sflag:s22] =	ssyncadd.s32 $0xFFFFFF80  }
0x15f: {  	[spmem:s2] =	stream.indirect.scatter.add.f32 [tilespmem:s14], [sflag:$0xC], $0x80, s11, s0, $0xb8;
	[tilespmem:$0x1C400] =	vst v63  }
0x160: {  	_ =	swait.ge [sflag:s7], $0x4000  }
0x161: {  	[sflag:s7] =	ssyncset.done $0x0  }
0x162: {  	[sflag:s7] =	ssyncadd.s32 $0xFFFFC000  }
0x163: {  	_ =	swait.ge [sflag:s19], $0x4000  }
0x164: {  	[sflag:s19] =	ssyncset.done $0x0  }
0x165: {  	s25 =	stileid.u32;
	[sflag:s19] =	ssyncadd.s32 $0xFFFFC000  }
0x166: {  	s24 =	sshll.u32 s25, $0x6;
	[bflag:$0x0] =	sbarrier.arrive $0xFFFF  }
0x167: {  	s25 =	sshrl.u32 s5, $0x3;
	s24 =	sor.u32 $0x1C0D, s24;
	s26 =	rddreg [dreg:$0x1d]  }
0x168: {  	[hbm:s26], [sflag:s24] =	dma.local [spmem:s25], $0x2800  }
0x169: {  	_ =	swait.ge [sflag:s30], $0x2800  }
0x16a: {  	s23 =	sadd.s32 $0x1, s23;
	s26 =	rddreg [dreg:$0x1e]  }
0x16b: {  	p0 =	sne.s32 s23, s26  }
.Ltmp2:
0x16c: {  	_ = 	snop;
	(pc) =	sbr.rel @p0 .LBB2_1-.Ltmp2, $3  }
0x16d: {  	_ =	sdelay $0x1  }
0x16e: {  	[sflag:s30] =	ssyncset.done $0x0  }
0x16f: {  	[sflag:s30] =	ssyncadd.s32 $0xFFFFD800  }
0x170: {  	_ =	sfence.sel $0x180000  }
0x171: {  	[bflag:$0x0] =	sbarrier.arrive $0xFFFF  }
0x172: {  	_ =	strace $0x9000004A  }
0x173: {  	s0 =	stileid.u32;
	[bflag:$0x2] =	sbarrier.arrive $0xFFFF  }
0x174: {  	p0 =	sne.s32 s0, $0x0;
	s0 =	rddreg [dreg:$0x4]  }
0x175: {  	s0 =	sadd.s32 @!p0 $0x100000, s0  }
0x176: {  	[sflag:s0] =	ssyncadd.tile.s32 @!p0 $0x1;
	_ =	shalt  }
.Lfunc_end2:
_tile_overlayer_lowered:
.L_overlay_start_2:
0x177: {  	(tag) =	ssettag $0x2  }
0x178: {  	s0 =	rddreg [dreg:$0x0];
	s2 =	stileid.u32  }
0x179: {  	s1 =	rddreg [dreg:$0x1];
	p0 =	sne.s32 s2, $0x0  }
0x17a: {  	s3 =	rddreg [dreg:$0x2];
	[bflag:$0x3] =	sbarrier.arrive $0xFFFF;
	s2 =	simm.s32 @!p0 $0x1C0D  }
0x17b: {  	[timem:s3], [sflag:s2] =	dma.local @!p0 [hbm:s0], s1  }
0x17c: {  	s0 =	simm.s32 @!p0 $0xD  }
0x17d: {  	_ =	swait.ge @!p0 [sflag:s0], s1  }
0x17e: {  	s1 =	ssub.s32 @!p0 $0x0, s1;
	[sflag:s0] =	ssyncset.done @!p0 $0x0  }
0x17f: {  	[sflag:s0] =	ssyncadd.s32 @!p0 s1  }
0x180: {  	[bflag:$0x3] =	sbarrier.arrive $0xFFFF  }
0x181: {  	_ =	shalt  }

</sc_bundles>
